<compile_context>
chip_gen: v7x
topology: tpu7x:2x2x1
jax: 0.10.2.dev20260603
libtpu: 0.0.44.dev20260713+nightly
codegen_flags: <defaults>
</compile_context>

<pallas_src>
import functools

import jax
import jax.numpy as jnp
import numpy as np
from jax import lax
from jax.experimental import pallas as pl
from jax.experimental.pallas import tpu as pltpu
from jax.experimental.pallas import tpu_sc as plsc

N = 10000
D = 128
E = 320000
K = N // 2

NC = 2
NS = 16
CHUNK = 128
E2 = 2 * E
EPAD = ((E2 + NC * NS * CHUNK - 1) // (NC * NS * CHUNK)) * (NC * NS * CHUNK)
NCHUNKS = EPAD // CHUNK
ACC_ROWS = 10240
ZROWS = ACC_ROWS // NS
ROWS_OUT = ACC_ROWS // NS

_SQRT1_2 = np.float32(0.7071067811865476)


def _gelu(h):
    return h * 0.5 * (1.0 + lax.erf(h * _SQRT1_2))



def _prep_body(x_ref, score_ref, xp_ref, sel_ref):
    x = x_ref[...]
    score = score_ref[...]
    bi = lax.bitcast_convert_type(score, jnp.int32)
    u = jnp.where(bi < 0, ~bi, bi ^ jnp.int32(-2147483648)).astype(jnp.uint32)

    def step(i, t):
        bit = lax.shift_left(jnp.uint32(1), jnp.uint32(31) - i.astype(jnp.uint32))
        t2 = t | bit
        cnt = jnp.sum((u >= t2).astype(jnp.int32))
        return jnp.where(cnt >= K, t2, t)

    thr = lax.fori_loop(0, 32, step, jnp.uint32(0))
    sel = (u >= thr).astype(jnp.float32)
    xp_ref[...] = x * (score * sel)
    sel_ref[...] = sel


def _prep(x, score2d):
    return pl.pallas_call(
        _prep_body,
        out_shape=[
            jax.ShapeDtypeStruct((N, D), jnp.float32),
            jax.ShapeDtypeStruct((N, 1), jnp.float32),
        ],
    )(x, score2d)



def _seg_loop(srcs_hbm, dsts_hbm, table_hbm, acc, sidx, didx, rows, sem,
              base, nchunk):

    def body(j, carry):
        off = base + j * CHUNK
        pltpu.sync_copy(srcs_hbm.at[pl.ds(off, CHUNK)], sidx)
        pltpu.sync_copy(dsts_hbm.at[pl.ds(off, CHUNK)], didx)
        pltpu.async_copy(table_hbm.at[sidx], rows, sem).wait()
        pltpu.sync_copy(rows, acc.at[didx], add=True)
        return carry

    lax.fori_loop(0, nchunk, body, 0)


_SC_SCRATCH = lambda: ([
    pltpu.VMEM((CHUNK,), jnp.int32),
    pltpu.VMEM((CHUNK,), jnp.int32),
    pltpu.VMEM((CHUNK, D), jnp.float32),
    pltpu.VMEM_SHARED((ACC_ROWS, D), jnp.float32),
    pltpu.SemaphoreType.DMA,
])


def _make_segsum_split():
    mesh = plsc.VectorSubcoreMesh(core_axis_name="c", subcore_axis_name="s",
                                  num_cores=NC, num_subcores=NS)
    nchunk = NCHUNKS // (NC * NS)

    @functools.partial(
        pl.kernel,
        out_type=jax.ShapeDtypeStruct((NC, ACC_ROWS, D), jnp.float32),
        mesh=mesh,
        scratch_types=_SC_SCRATCH(),
    )
    def k(srcs_hbm, dsts_hbm, table_hbm, zeros_hbm, out_hbm,
          sidx, didx, rows, acc, sem):
        cid = lax.axis_index("c")
        sid = lax.axis_index("s")
        pltpu.sync_copy(zeros_hbm, acc.at[pl.ds(sid * ZROWS, ZROWS)])
        plsc.subcore_barrier()
        base = (cid * NS + sid) * nchunk * CHUNK
        _seg_loop(srcs_hbm, dsts_hbm, table_hbm, acc, sidx, didx, rows, sem,
                  base, nchunk)
        plsc.subcore_barrier()
        pltpu.sync_copy(acc.at[pl.ds(sid * ROWS_OUT, ROWS_OUT)],
                        out_hbm.at[cid].at[pl.ds(sid * ROWS_OUT, ROWS_OUT)])

    return k



def _make_segsum_dual():
    mesh = plsc.VectorSubcoreMesh(core_axis_name="c", subcore_axis_name="s",
                                  num_cores=NC, num_subcores=NS)
    nchunk = NCHUNKS // NS

    @functools.partial(
        pl.kernel,
        out_type=jax.ShapeDtypeStruct((NC, ACC_ROWS, D), jnp.float32),
        mesh=mesh,
        scratch_types=_SC_SCRATCH(),
    )
    def k(srcs_hbm, dsts_hbm, rec_hbm, skip_hbm, zeros_hbm, out_hbm,
          sidx, didx, rows, acc, sem):
        cid = lax.axis_index("c")
        sid = lax.axis_index("s")
        pltpu.sync_copy(zeros_hbm, acc.at[pl.ds(sid * ZROWS, ZROWS)])
        plsc.subcore_barrier()
        base = sid * nchunk * CHUNK

        @pl.when(cid == 0)
        def _():
            _seg_loop(srcs_hbm, dsts_hbm, rec_hbm, acc, sidx, didx, rows, sem,
                      base, nchunk)

        @pl.when(cid == 1)
        def _():
            _seg_loop(srcs_hbm, dsts_hbm, skip_hbm, acc, sidx, didx, rows, sem,
                      base, nchunk)

        plsc.subcore_barrier()
        pltpu.sync_copy(acc.at[pl.ds(sid * ROWS_OUT, ROWS_OUT)],
                        out_hbm.at[cid].at[pl.ds(sid * ROWS_OUT, ROWS_OUT)])

    return k



_ROWS_BLK = 2000


def _ln(h, g, be):
    mu = jnp.mean(h, axis=-1, keepdims=True)
    c = h - mu
    var = jnp.mean(c * c, axis=-1, keepdims=True)
    return c / jnp.sqrt(var + 1e-5) * g + be


def _mlp_down_body(p0_ref, p1_ref, sel_ref, w1_ref, b1_ref, w2_ref, b2_ref,
                   w3_ref, b3_ref, g_ref, be_ref, rec_ref):
    agg = p0_ref[...] + p1_ref[...]
    h = _gelu(jnp.dot(agg, w1_ref[...], preferred_element_type=jnp.float32)
              + b1_ref[...])
    h = _gelu(jnp.dot(h, w2_ref[...], preferred_element_type=jnp.float32)
              + b2_ref[...])
    h = jnp.dot(h, w3_ref[...], preferred_element_type=jnp.float32) + b3_ref[...]
    rec_ref[...] = _ln(h, g_ref[...], be_ref[...]) * sel_ref[...]


def _mlp_up_body(pa_ref, ps_ref, w1a_ref, w1b_ref, b1_ref, w2_ref, b2_ref,
                 w3_ref, b3_ref, g_ref, be_ref, out_ref):
    h = (jnp.dot(pa_ref[...], w1a_ref[...], preferred_element_type=jnp.float32)
         + jnp.dot(ps_ref[...], w1b_ref[...], preferred_element_type=jnp.float32)
         + b1_ref[...])
    h = _gelu(h)
    h = _gelu(jnp.dot(h, w2_ref[...], preferred_element_type=jnp.float32)
              + b2_ref[...])
    h = jnp.dot(h, w3_ref[...], preferred_element_type=jnp.float32) + b3_ref[...]
    out_ref[...] = _ln(h, g_ref[...], be_ref[...])


def _row_spec():
    return pl.BlockSpec((_ROWS_BLK, D), lambda i: (i, 0))


def _full_spec(shape):
    return pl.BlockSpec(shape, lambda i: (0, 0))


def _mlp_down(p0, p1, sel, w1, b1, w2, b2, w3, b3, g, be):
    return pl.pallas_call(
        _mlp_down_body,
        grid=(N // _ROWS_BLK,),
        in_specs=[
            _row_spec(), _row_spec(),
            pl.BlockSpec((_ROWS_BLK, 1), lambda i: (i, 0)),
            _full_spec((D, D)), _full_spec((1, D)),
            _full_spec((D, D)), _full_spec((1, D)),
            _full_spec((D, D)), _full_spec((1, D)),
            _full_spec((1, D)), _full_spec((1, D)),
        ],
        out_specs=_row_spec(),
        out_shape=jax.ShapeDtypeStruct((N, D), jnp.float32),
    )(p0, p1, sel, w1, b1, w2, b2, w3, b3, g, be)


def _mlp_up(pa, ps, w1a, w1b, b1, w2, b2, w3, b3, g, be):
    return pl.pallas_call(
        _mlp_up_body,
        grid=(N // _ROWS_BLK,),
        in_specs=[
            _row_spec(), _row_spec(),
            _full_spec((D, D)), _full_spec((D, D)), _full_spec((1, D)),
            _full_spec((D, D)), _full_spec((1, D)),
            _full_spec((D, D)), _full_spec((1, D)),
            _full_spec((1, D)), _full_spec((1, D)),
        ],
        out_specs=_row_spec(),
        out_shape=jax.ShapeDtypeStruct((N, D), jnp.float32),
    )(pa, ps, w1a, w1b, b1, w2, b2, w3, b3, g, be)



def kernel(x, edge_index, edge_attr, pw, dW1, db1, dW2, db2, dW3, db3, dg, dbe,
           uW1, ub1, uW2, ub2, uW3, ub3, ug, ube):
    del edge_attr
    ei0 = edge_index[0]
    ei1 = edge_index[1]
    pad = EPAD - E2
    srcs = jnp.concatenate([ei0, ei1, jnp.zeros((pad,), jnp.int32)])
    dsts = jnp.concatenate([ei1, ei0, jnp.full((pad,), N, jnp.int32)])
    zeros = jnp.zeros((ZROWS, D), jnp.float32)

    score2d = jnp.tanh((x @ pw) / jnp.linalg.norm(pw))[:, None]
    xp, sel = _prep(x, score2d)

    segsum_split = _make_segsum_split()
    parts1 = segsum_split(srcs, dsts, xp, zeros)

    rec = _mlp_down(parts1[0, :N], parts1[1, :N], sel,
                    dW1, db1.reshape(1, D), dW2, db2.reshape(1, D),
                    dW3, db3.reshape(1, D), dg.reshape(1, D), dbe.reshape(1, D))

    segsum_dual = _make_segsum_dual()
    parts2 = segsum_dual(srcs, dsts, rec, x, zeros)

    out = _mlp_up(parts2[0, :N], parts2[1, :N],
                  uW1[:D], uW1[D:], ub1.reshape(1, D),
                  uW2, ub2.reshape(1, D), uW3, ub3.reshape(1, D),
                  ug.reshape(1, D), ube.reshape(1, D))
    return out

# --- scband reference (transcript-rebuilt; emitter-appended) ---
"""Pipeline reference for scband-mesh-graph-unet-90400471646658 (READ-ONLY COPY).

The authoritative reference and input builder live on the scoring server;
editing this copy changes nothing except your own understanding.
"""

import jax, jax.numpy as jnp
import numpy as np

N = 10000
E = 320000
D = 128

def _linear_init(key, fan_in, fan_out):
    k1, k2 = jax.random.split(key)
    lim = 1.0 / np.sqrt(fan_in)
    W = jax.random.uniform(k1, (fan_in, fan_out), minval=-lim, maxval=lim, dtype=jnp.float32)
    b = jax.random.uniform(k2, (fan_out,), minval=-lim, maxval=lim, dtype=jnp.float32)
    return W, b

def setup_inputs(seed: int = 0):
    key = jax.random.key(seed)
    ks = jax.random.split(key, 12)
    x = jax.random.normal(ks[0], (N, D), dtype=jnp.float32)
    edge_index = jax.random.randint(ks[1], (2, E), 0, N, dtype=jnp.int32)
    edge_attr = jax.random.normal(ks[2], (E, 4), dtype=jnp.float32)
    pw = jax.random.normal(ks[3], (D,), dtype=jnp.float32)
    dW1, db1 = _linear_init(ks[4], D, D)
    dW2, db2 = _linear_init(ks[5], D, D)
    dW3, db3 = _linear_init(ks[6], D, D)
    dg = jnp.ones((D,), jnp.float32)
    dbe = jnp.zeros((D,), jnp.float32)
    uW1, ub1 = _linear_init(ks[7], 2 * D, D)
    uW2, ub2 = _linear_init(ks[8], D, D)
    uW3, ub3 = _linear_init(ks[9], D, D)
    ug = jnp.ones((D,), jnp.float32)
    ube = jnp.zeros((D,), jnp.float32)
    return {"x": x, "edge_index": edge_index, "edge_attr": edge_attr, "pw": pw,
            "dW1": dW1, "db1": db1, "dW2": dW2, "db2": db2, "dW3": dW3, "db3": db3, "dg": dg, "dbe": dbe,
            "uW1": uW1, "ub1": ub1, "uW2": uW2, "ub2": ub2, "uW3": uW3, "ub3": ub3, "ug": ug, "ube": ube}

def _node_to_node(x, senders, receivers, valid, num_nodes, W1, b1, W2, b2, W3, b3, g, be):
    # two-way message passing: scatter_add(x[two_way_senders], two_way_receivers)
    tws = jnp.concatenate([senders, receivers], axis=0)
    twr = jnp.concatenate([receivers, senders], axis=0)
    v = jnp.concatenate([valid, valid], axis=0).astype(x.dtype)[:, None]
    agg = jax.ops.segment_sum(x[tws] * v, twr, num_segments=num_nodes)
    h = jax.nn.gelu(agg @ W1 + b1, approximate=False)
    h = jax.nn.gelu(h @ W2 + b2, approximate=False)
    h = h @ W3 + b3
    mu = jnp.mean(h, axis=-1, keepdims=True)
    var = jnp.mean((h - mu) ** 2, axis=-1, keepdims=True)
    return (h - mu) / jnp.sqrt(var + 1e-5) * g + be

def reference(x, edge_index, edge_attr, pw, dW1, db1, dW2, db2, dW3, db3, dg, dbe, uW1, ub1, uW2, ub2, uW3, ub3, ug, ube):
    n = x.shape[0]
    k = n // 2  # TopKPooling ratio=0.5
    # --- down path: TopKPooling (PyG-style score = tanh(x.w/||w||)) + NodeToNode ---
    score = jnp.tanh((x @ pw) / jnp.linalg.norm(pw))
    vals, perm = jax.lax.top_k(score, k)
    skip = x
    xp = x[perm] * vals[:, None]
    new_idx = jnp.full((n,), -1, dtype=jnp.int32).at[perm].set(jnp.arange(k, dtype=jnp.int32))
    s2 = new_idx[edge_index[0]]
    r2 = new_idx[edge_index[1]]
    valid = (s2 >= 0) & (r2 >= 0)
    s2 = jnp.where(valid, s2, 0)
    r2 = jnp.where(valid, r2, 0)
    xd = _node_to_node(xp, s2, r2, valid, k, dW1, db1, dW2, db2, dW3, db3, dg, dbe)
    # --- up path: unpool (scatter into zeros at perm), concat skip, NodeToNode ---
    recovered = jnp.zeros_like(skip).at[perm].set(xd)
    xcat = jnp.concatenate([recovered, skip], axis=-1)
    all_valid = jnp.ones((edge_index.shape[1],), dtype=bool)
    out = _node_to_node(xcat, edge_index[0], edge_index[1], all_valid, n, uW1, ub1, uW2, ub2, uW3, ub3, ug, ube)
    return out

if __name__ == "__main__":
    import jax
    _d = setup_inputs()
    print(jax.jit(kernel)(*tuple(_d.values())))

</pallas_src>

<mosaic_0001>
#map = affine_map<(d0, d1) -> (0)>
#map1 = affine_map<(d0, d1) -> (0, 0)>
#map2 = affine_map<(d0, d1) -> (0, 0, 0)>
module attributes {stable_mosaic.version = 14 : i64} {
  func.func @k(%arg0: i32, %arg1: i32, %arg2: memref<643072xi32, #tpu.memory_space<hbm>>, %arg3: memref<643072xi32, #tpu.memory_space<hbm>>, %arg4: memref<10000x128xf32, #tpu.memory_space<hbm>>, %arg5: memref<10000x128xf32, #tpu.memory_space<hbm>>, %arg6: memref<640x128xf32, #tpu.memory_space<hbm>>, %arg7: memref<2x10240x128xf32, #tpu.memory_space<hbm>>, %arg8: memref<128xi32, #tpu.memory_space<vmem>>, %arg9: memref<128xi32, #tpu.memory_space<vmem>>, %arg10: memref<128x128xf32, #tpu.memory_space<vmem>>, %arg11: memref<10240x128xf32, #tpu.memory_space<vmem_shared>>, %arg12: memref<!tpu.dma_semaphore, #tpu.memory_space<semaphore_mem>>) attributes {dimension_semantics = [#tpu.dimension_semantics<core_parallel>, #tpu.dimension_semantics<subcore_parallel>], iteration_bounds = array<i64: 2, 16>, scalar_prefetch = 0 : i64, scratch_operands = 5 : i64, tpu.core_type = #tpu.core_type<sc_vector_subcore>, window_params = [{transform_indices = #map}, {transform_indices = #map}, {transform_indices = #map1}, {transform_indices = #map1}, {transform_indices = #map1}, {transform_indices = #map2}]} {
    %mul3A = arith.constant 640 : i32
    %mul3A_0 = arith.muli %arg1, %mul3A : i32
    "tpu.region"() ({
      %run_scoped3A = tpu.sem_alloc : memref<!tpu.dma_semaphore, #tpu.memory_space<semaphore_mem>>
      %dma_start3A = arith.constant 0 : i32
      %dma_start3A_17 = tpu.memref_slice %arg11[%mul3A_0, %dma_start3A] : memref<10240x128xf32, #tpu.memory_space<vmem_shared>> -> memref<640x128xf32, #tpu.memory_space<vmem_shared>>
      tpu.enqueue_dma source(%arg6 : memref<640x128xf32, #tpu.memory_space<hbm>>) target(%dma_start3A_17 : memref<640x128xf32, #tpu.memory_space<vmem_shared>>) target_semaphore(%run_scoped3A : memref<!tpu.dma_semaphore, #tpu.memory_space<semaphore_mem>>)
      %dma_wait3A = arith.constant 0 : i32
      %dma_wait3A_18 = tpu.memref_slice %arg11[%mul3A_0, %dma_wait3A] : memref<10240x128xf32, #tpu.memory_space<vmem_shared>> -> memref<640x128xf32, #tpu.memory_space<vmem_shared>>
      tpu.wait_dma2 semaphore(%run_scoped3A : memref<!tpu.dma_semaphore, #tpu.memory_space<semaphore_mem>>) src(%arg6 : memref<640x128xf32, #tpu.memory_space<hbm>>) dst(%dma_wait3A_18 : memref<640x128xf32, #tpu.memory_space<vmem_shared>>)
      tpu.yield
    }) : () -> ()
    %barrier3A = arith.constant 0 : index
    tpu.barrier barrier_id(%barrier3A)
    %mul3A_1 = arith.constant 314 : i32
    %mul3A_2 = arith.muli %arg1, %mul3A_1 : i32
    %mul3A_3 = arith.constant 128 : i32
    %mul3A_4 = arith.muli %mul3A_2, %mul3A_3 : i32
    %eq3A = arith.constant 0 : i32
    %eq3A_5 = arith.cmpi eq, %arg0, %eq3A : i32
    %convert_element_type3A = arith.extui %eq3A_5 : i1 to i32
    %cond3A = arith.constant 0 : i32
    %cond3A_6 = arith.cmpi ne, %convert_element_type3A, %cond3A : i32
    scf.if %cond3A_6 {
      %scan3A = arith.constant 0 : i32
      %scan3A_17 = arith.constant 0 : i32
      %scan3A_18 = arith.constant 314 : i32
      %scan3A_19 = arith.addi %scan3A_17, %scan3A_18 : i32
      %scan3A_20 = arith.constant 1 : i32
      scf.for %scan3A_22 = %scan3A_17 to %scan3A_19 step %scan3A_20  : i32 {
        %mul3A_23 = arith.constant 128 : i32
        %mul3A_24 = arith.muli %scan3A_22, %mul3A_23 : i32
        %add3A = arith.addi %mul3A_4, %mul3A_24 : i32
        "tpu.region"() ({
          %run_scoped3A = tpu.sem_alloc : memref<!tpu.dma_semaphore, #tpu.memory_space<semaphore_mem>>
          %dma_start3A_29 = tpu.memref_slice %arg2[%add3A] : memref<643072xi32, #tpu.memory_space<hbm>> -> memref<128xi32, #tpu.memory_space<hbm>>
          %dma_start3A_30 = tpu.memref_slice %arg2[%add3A] : memref<643072xi32, #tpu.memory_space<hbm>> -> memref<128xi32, #tpu.memory_space<hbm>>
          tpu.enqueue_dma source(%dma_start3A_30 : memref<128xi32, #tpu.memory_space<hbm>>) target(%arg8 : memref<128xi32, #tpu.memory_space<vmem>>) target_semaphore(%run_scoped3A : memref<!tpu.dma_semaphore, #tpu.memory_space<semaphore_mem>>)
          %dma_wait3A_31 = tpu.memref_slice %arg2[%add3A] : memref<643072xi32, #tpu.memory_space<hbm>> -> memref<128xi32, #tpu.memory_space<hbm>>
          %dma_wait3A_32 = tpu.memref_slice %arg2[%add3A] : memref<643072xi32, #tpu.memory_space<hbm>> -> memref<128xi32, #tpu.memory_space<hbm>>
          tpu.wait_dma2 semaphore(%run_scoped3A : memref<!tpu.dma_semaphore, #tpu.memory_space<semaphore_mem>>) src(%dma_wait3A_32 : memref<128xi32, #tpu.memory_space<hbm>>) dst(%arg8 : memref<128xi32, #tpu.memory_space<vmem>>)
          tpu.yield
        }) : () -> ()
        "tpu.region"() ({
          %run_scoped3A = tpu.sem_alloc : memref<!tpu.dma_semaphore, #tpu.memory_space<semaphore_mem>>
          %dma_start3A_29 = tpu.memref_slice %arg3[%add3A] : memref<643072xi32, #tpu.memory_space<hbm>> -> memref<128xi32, #tpu.memory_space<hbm>>
          %dma_start3A_30 = tpu.memref_slice %arg3[%add3A] : memref<643072xi32, #tpu.memory_space<hbm>> -> memref<128xi32, #tpu.memory_space<hbm>>
          tpu.enqueue_dma source(%dma_start3A_30 : memref<128xi32, #tpu.memory_space<hbm>>) target(%arg9 : memref<128xi32, #tpu.memory_space<vmem>>) target_semaphore(%run_scoped3A : memref<!tpu.dma_semaphore, #tpu.memory_space<semaphore_mem>>)
          %dma_wait3A_31 = tpu.memref_slice %arg3[%add3A] : memref<643072xi32, #tpu.memory_space<hbm>> -> memref<128xi32, #tpu.memory_space<hbm>>
          %dma_wait3A_32 = tpu.memref_slice %arg3[%add3A] : memref<643072xi32, #tpu.memory_space<hbm>> -> memref<128xi32, #tpu.memory_space<hbm>>
          tpu.wait_dma2 semaphore(%run_scoped3A : memref<!tpu.dma_semaphore, #tpu.memory_space<semaphore_mem>>) src(%dma_wait3A_32 : memref<128xi32, #tpu.memory_space<hbm>>) dst(%arg9 : memref<128xi32, #tpu.memory_space<vmem>>)
          tpu.yield
        }) : () -> ()
        %dma_start3A = arith.constant 0 : i32
        %dma_start3A_25 = arith.constant 0 : i32
        %dma_start3A_26 = tpu.memref_slice %arg4[%dma_start3A, %dma_start3A_25] : memref<10000x128xf32, #tpu.memory_space<hbm>> -> memref<10000x128xf32, #tpu.memory_space<hbm>>
        tpu.enqueue_indirect_dma source(%dma_start3A_26 : memref<10000x128xf32, #tpu.memory_space<hbm>>) target(%arg10 : memref<128x128xf32, #tpu.memory_space<vmem>>) offsets(%arg8 : memref<128xi32, #tpu.memory_space<vmem>>) semaphore(%arg12 : memref<!tpu.dma_semaphore, #tpu.memory_space<semaphore_mem>>)
        %dma_wait3A = arith.constant 0 : i32
        %dma_wait3A_27 = arith.constant 0 : i32
        %dma_wait3A_28 = tpu.memref_slice %arg4[%dma_wait3A, %dma_wait3A_27] : memref<10000x128xf32, #tpu.memory_space<hbm>> -> memref<10000x128xf32, #tpu.memory_space<hbm>>
        tpu.wait_indirect_dma semaphore(%arg12 : memref<!tpu.dma_semaphore, #tpu.memory_space<semaphore_mem>>) src(%dma_wait3A_28 : memref<10000x128xf32, #tpu.memory_space<hbm>>) dst(%arg10 : memref<128x128xf32, #tpu.memory_space<vmem>>)
        "tpu.region"() ({
          %run_scoped3A = tpu.sem_alloc : memref<!tpu.dma_semaphore, #tpu.memory_space<semaphore_mem>>
          %dma_start3A_29 = arith.constant 0 : i32
          %dma_start3A_30 = arith.constant 0 : i32
          %dma_start3A_31 = tpu.memref_slice %arg11[%dma_start3A_29, %dma_start3A_30] : memref<10240x128xf32, #tpu.memory_space<vmem_shared>> -> memref<10240x128xf32, #tpu.memory_space<vmem_shared>>
          tpu.enqueue_indirect_dma source(%arg10 : memref<128x128xf32, #tpu.memory_space<vmem>>) target(%dma_start3A_31 : memref<10240x128xf32, #tpu.memory_space<vmem_shared>>) offsets(%arg9 : memref<128xi32, #tpu.memory_space<vmem>>) semaphore(%run_scoped3A : memref<!tpu.dma_semaphore, #tpu.memory_space<semaphore_mem>>) {add = true}
          %dma_wait3A_32 = arith.constant 0 : i32
          %dma_wait3A_33 = arith.constant 0 : i32
          %dma_wait3A_34 = tpu.memref_slice %arg11[%dma_wait3A_32, %dma_wait3A_33] : memref<10240x128xf32, #tpu.memory_space<vmem_shared>> -> memref<10240x128xf32, #tpu.memory_space<vmem_shared>>
          tpu.wait_indirect_dma semaphore(%run_scoped3A : memref<!tpu.dma_semaphore, #tpu.memory_space<semaphore_mem>>) src(%arg10 : memref<128x128xf32, #tpu.memory_space<vmem>>) dst(%dma_wait3A_34 : memref<10240x128xf32, #tpu.memory_space<vmem_shared>>)
          tpu.yield
        }) : () -> ()
      }
      %scan3A_21 = arith.constant 314 : i32
    } else {
    }
    %eq3A_7 = arith.constant 1 : i32
    %eq3A_8 = arith.cmpi eq, %arg0, %eq3A_7 : i32
    %convert_element_type3A_9 = arith.extui %eq3A_8 : i1 to i32
    %cond3A_10 = arith.constant 0 : i32
    %cond3A_11 = arith.cmpi ne, %convert_element_type3A_9, %cond3A_10 : i32
    scf.if %cond3A_11 {
      %scan3A = arith.constant 0 : i32
      %scan3A_17 = arith.constant 0 : i32
      %scan3A_18 = arith.constant 314 : i32
      %scan3A_19 = arith.addi %scan3A_17, %scan3A_18 : i32
      %scan3A_20 = arith.constant 1 : i32
      scf.for %scan3A_22 = %scan3A_17 to %scan3A_19 step %scan3A_20  : i32 {
        %mul3A_23 = arith.constant 128 : i32
        %mul3A_24 = arith.muli %scan3A_22, %mul3A_23 : i32
        %add3A = arith.addi %mul3A_4, %mul3A_24 : i32
        "tpu.region"() ({
          %run_scoped3A = tpu.sem_alloc : memref<!tpu.dma_semaphore, #tpu.memory_space<semaphore_mem>>
          %dma_start3A_29 = tpu.memref_slice %arg2[%add3A] : memref<643072xi32, #tpu.memory_space<hbm>> -> memref<128xi32, #tpu.memory_space<hbm>>
          %dma_start3A_30 = tpu.memref_slice %arg2[%add3A] : memref<643072xi32, #tpu.memory_space<hbm>> -> memref<128xi32, #tpu.memory_space<hbm>>
          tpu.enqueue_dma source(%dma_start3A_30 : memref<128xi32, #tpu.memory_space<hbm>>) target(%arg8 : memref<128xi32, #tpu.memory_space<vmem>>) target_semaphore(%run_scoped3A : memref<!tpu.dma_semaphore, #tpu.memory_space<semaphore_mem>>)
          %dma_wait3A_31 = tpu.memref_slice %arg2[%add3A] : memref<643072xi32, #tpu.memory_space<hbm>> -> memref<128xi32, #tpu.memory_space<hbm>>
          %dma_wait3A_32 = tpu.memref_slice %arg2[%add3A] : memref<643072xi32, #tpu.memory_space<hbm>> -> memref<128xi32, #tpu.memory_space<hbm>>
          tpu.wait_dma2 semaphore(%run_scoped3A : memref<!tpu.dma_semaphore, #tpu.memory_space<semaphore_mem>>) src(%dma_wait3A_32 : memref<128xi32, #tpu.memory_space<hbm>>) dst(%arg8 : memref<128xi32, #tpu.memory_space<vmem>>)
          tpu.yield
        }) : () -> ()
        "tpu.region"() ({
          %run_scoped3A = tpu.sem_alloc : memref<!tpu.dma_semaphore, #tpu.memory_space<semaphore_mem>>
          %dma_start3A_29 = tpu.memref_slice %arg3[%add3A] : memref<643072xi32, #tpu.memory_space<hbm>> -> memref<128xi32, #tpu.memory_space<hbm>>
          %dma_start3A_30 = tpu.memref_slice %arg3[%add3A] : memref<643072xi32, #tpu.memory_space<hbm>> -> memref<128xi32, #tpu.memory_space<hbm>>
          tpu.enqueue_dma source(%dma_start3A_30 : memref<128xi32, #tpu.memory_space<hbm>>) target(%arg9 : memref<128xi32, #tpu.memory_space<vmem>>) target_semaphore(%run_scoped3A : memref<!tpu.dma_semaphore, #tpu.memory_space<semaphore_mem>>)
          %dma_wait3A_31 = tpu.memref_slice %arg3[%add3A] : memref<643072xi32, #tpu.memory_space<hbm>> -> memref<128xi32, #tpu.memory_space<hbm>>
          %dma_wait3A_32 = tpu.memref_slice %arg3[%add3A] : memref<643072xi32, #tpu.memory_space<hbm>> -> memref<128xi32, #tpu.memory_space<hbm>>
          tpu.wait_dma2 semaphore(%run_scoped3A : memref<!tpu.dma_semaphore, #tpu.memory_space<semaphore_mem>>) src(%dma_wait3A_32 : memref<128xi32, #tpu.memory_space<hbm>>) dst(%arg9 : memref<128xi32, #tpu.memory_space<vmem>>)
          tpu.yield
        }) : () -> ()
        %dma_start3A = arith.constant 0 : i32
        %dma_start3A_25 = arith.constant 0 : i32
        %dma_start3A_26 = tpu.memref_slice %arg5[%dma_start3A, %dma_start3A_25] : memref<10000x128xf32, #tpu.memory_space<hbm>> -> memref<10000x128xf32, #tpu.memory_space<hbm>>
        tpu.enqueue_indirect_dma source(%dma_start3A_26 : memref<10000x128xf32, #tpu.memory_space<hbm>>) target(%arg10 : memref<128x128xf32, #tpu.memory_space<vmem>>) offsets(%arg8 : memref<128xi32, #tpu.memory_space<vmem>>) semaphore(%arg12 : memref<!tpu.dma_semaphore, #tpu.memory_space<semaphore_mem>>)
        %dma_wait3A = arith.constant 0 : i32
        %dma_wait3A_27 = arith.constant 0 : i32
        %dma_wait3A_28 = tpu.memref_slice %arg5[%dma_wait3A, %dma_wait3A_27] : memref<10000x128xf32, #tpu.memory_space<hbm>> -> memref<10000x128xf32, #tpu.memory_space<hbm>>
        tpu.wait_indirect_dma semaphore(%arg12 : memref<!tpu.dma_semaphore, #tpu.memory_space<semaphore_mem>>) src(%dma_wait3A_28 : memref<10000x128xf32, #tpu.memory_space<hbm>>) dst(%arg10 : memref<128x128xf32, #tpu.memory_space<vmem>>)
        "tpu.region"() ({
          %run_scoped3A = tpu.sem_alloc : memref<!tpu.dma_semaphore, #tpu.memory_space<semaphore_mem>>
          %dma_start3A_29 = arith.constant 0 : i32
          %dma_start3A_30 = arith.constant 0 : i32
          %dma_start3A_31 = tpu.memref_slice %arg11[%dma_start3A_29, %dma_start3A_30] : memref<10240x128xf32, #tpu.memory_space<vmem_shared>> -> memref<10240x128xf32, #tpu.memory_space<vmem_shared>>
          tpu.enqueue_indirect_dma source(%arg10 : memref<128x128xf32, #tpu.memory_space<vmem>>) target(%dma_start3A_31 : memref<10240x128xf32, #tpu.memory_space<vmem_shared>>) offsets(%arg9 : memref<128xi32, #tpu.memory_space<vmem>>) semaphore(%run_scoped3A : memref<!tpu.dma_semaphore, #tpu.memory_space<semaphore_mem>>) {add = true}
          %dma_wait3A_32 = arith.constant 0 : i32
          %dma_wait3A_33 = arith.constant 0 : i32
          %dma_wait3A_34 = tpu.memref_slice %arg11[%dma_wait3A_32, %dma_wait3A_33] : memref<10240x128xf32, #tpu.memory_space<vmem_shared>> -> memref<10240x128xf32, #tpu.memory_space<vmem_shared>>
          tpu.wait_indirect_dma semaphore(%run_scoped3A : memref<!tpu.dma_semaphore, #tpu.memory_space<semaphore_mem>>) src(%arg10 : memref<128x128xf32, #tpu.memory_space<vmem>>) dst(%dma_wait3A_34 : memref<10240x128xf32, #tpu.memory_space<vmem_shared>>)
          tpu.yield
        }) : () -> ()
      }
      %scan3A_21 = arith.constant 314 : i32
    } else {
    }
    %barrier3A_12 = arith.constant 0 : index
    tpu.barrier barrier_id(%barrier3A_12)
    %mul3A_13 = arith.constant 640 : i32
    %mul3A_14 = arith.muli %arg1, %mul3A_13 : i32
    %mul3A_15 = arith.constant 640 : i32
    %mul3A_16 = arith.muli %arg1, %mul3A_15 : i32
    "tpu.region"() ({
      %run_scoped3A = tpu.sem_alloc : memref<!tpu.dma_semaphore, #tpu.memory_space<semaphore_mem>>
      %dma_start3A = arith.constant 0 : i32
      %dma_start3A_17 = arith.constant 0 : i32
      %dma_start3A_18 = tpu.memref_slice %arg7[%arg0, %dma_start3A, %dma_start3A_17] : memref<2x10240x128xf32, #tpu.memory_space<hbm>> -> memref<1x10240x128xf32, #tpu.memory_space<hbm>>
      %dma_start3A_19 = tpu.memref_squeeze %dma_start3A_18 : memref<1x10240x128xf32, #tpu.memory_space<hbm>> -> memref<10240x128xf32, #tpu.memory_space<hbm>>
      %dma_start3A_20 = arith.constant 0 : i32
      %dma_start3A_21 = tpu.memref_slice %dma_start3A_19[%mul3A_16, %dma_start3A_20] : memref<10240x128xf32, #tpu.memory_space<hbm>> -> memref<640x128xf32, #tpu.memory_space<hbm>>
      %dma_start3A_22 = arith.constant 0 : i32
      %dma_start3A_23 = tpu.memref_slice %arg11[%mul3A_14, %dma_start3A_22] : memref<10240x128xf32, #tpu.memory_space<vmem_shared>> -> memref<640x128xf32, #tpu.memory_space<vmem_shared>>
      tpu.enqueue_dma source(%dma_start3A_23 : memref<640x128xf32, #tpu.memory_space<vmem_shared>>) target(%dma_start3A_21 : memref<640x128xf32, #tpu.memory_space<hbm>>) target_semaphore(%run_scoped3A : memref<!tpu.dma_semaphore, #tpu.memory_space<semaphore_mem>>)
      %dma_wait3A = arith.constant 0 : i32
      %dma_wait3A_24 = arith.constant 0 : i32
      %dma_wait3A_25 = tpu.memref_slice %arg7[%arg0, %dma_wait3A, %dma_wait3A_24] : memref<2x10240x128xf32, #tpu.memory_space<hbm>> -> memref<1x10240x128xf32, #tpu.memory_space<hbm>>
      %dma_wait3A_26 = tpu.memref_squeeze %dma_wait3A_25 : memref<1x10240x128xf32, #tpu.memory_space<hbm>> -> memref<10240x128xf32, #tpu.memory_space<hbm>>
      %dma_wait3A_27 = arith.constant 0 : i32
      %dma_wait3A_28 = tpu.memref_slice %dma_wait3A_26[%mul3A_16, %dma_wait3A_27] : memref<10240x128xf32, #tpu.memory_space<hbm>> -> memref<640x128xf32, #tpu.memory_space<hbm>>
      %dma_wait3A_29 = arith.constant 0 : i32
      %dma_wait3A_30 = tpu.memref_slice %arg11[%mul3A_14, %dma_wait3A_29] : memref<10240x128xf32, #tpu.memory_space<vmem_shared>> -> memref<640x128xf32, #tpu.memory_space<vmem_shared>>
      tpu.wait_dma2 semaphore(%run_scoped3A : memref<!tpu.dma_semaphore, #tpu.memory_space<semaphore_mem>>) src(%dma_wait3A_30 : memref<640x128xf32, #tpu.memory_space<vmem_shared>>) dst(%dma_wait3A_28 : memref<640x128xf32, #tpu.memory_space<hbm>>)
      tpu.yield
    }) : () -> ()
    return
  }
}

#map = affine_map<(d0, d1) -> (0)>
#map1 = affine_map<(d0, d1) -> (0, 0)>
#map2 = affine_map<(d0, d1) -> (0, 0, 0)>
module attributes {stable_mosaic.version = 14 : i64} {
  func.func @k(%arg0: i32, %arg1: i32, %arg2: memref<643072xi32, #tpu.memory_space<hbm>>, %arg3: memref<643072xi32, #tpu.memory_space<hbm>>, %arg4: memref<10000x128xf32, #tpu.memory_space<hbm>>, %arg5: memref<640x128xf32, #tpu.memory_space<hbm>>, %arg6: memref<2x10240x128xf32, #tpu.memory_space<hbm>>, %arg7: memref<128xi32, #tpu.memory_space<vmem>>, %arg8: memref<128xi32, #tpu.memory_space<vmem>>, %arg9: memref<128x128xf32, #tpu.memory_space<vmem>>, %arg10: memref<10240x128xf32, #tpu.memory_space<vmem_shared>>, %arg11: memref<!tpu.dma_semaphore, #tpu.memory_space<semaphore_mem>>) attributes {dimension_semantics = [#tpu.dimension_semantics<core_parallel>, #tpu.dimension_semantics<subcore_parallel>], iteration_bounds = array<i64: 2, 16>, scalar_prefetch = 0 : i64, scratch_operands = 5 : i64, tpu.core_type = #tpu.core_type<sc_vector_subcore>, window_params = [{transform_indices = #map}, {transform_indices = #map}, {transform_indices = #map1}, {transform_indices = #map1}, {transform_indices = #map2}]} {
    %mul3A = arith.constant 640 : i32
    %mul3A_0 = arith.muli %arg1, %mul3A : i32
    "tpu.region"() ({
      %run_scoped3A = tpu.sem_alloc : memref<!tpu.dma_semaphore, #tpu.memory_space<semaphore_mem>>
      %dma_start3A = arith.constant 0 : i32
      %dma_start3A_17 = tpu.memref_slice %arg10[%mul3A_0, %dma_start3A] : memref<10240x128xf32, #tpu.memory_space<vmem_shared>> -> memref<640x128xf32, #tpu.memory_space<vmem_shared>>
      tpu.enqueue_dma source(%arg5 : memref<640x128xf32, #tpu.memory_space<hbm>>) target(%dma_start3A_17 : memref<640x128xf32, #tpu.memory_space<vmem_shared>>) target_semaphore(%run_scoped3A : memref<!tpu.dma_semaphore, #tpu.memory_space<semaphore_mem>>)
      %dma_wait3A = arith.constant 0 : i32
      %dma_wait3A_18 = tpu.memref_slice %arg10[%mul3A_0, %dma_wait3A] : memref<10240x128xf32, #tpu.memory_space<vmem_shared>> -> memref<640x128xf32, #tpu.memory_space<vmem_shared>>
      tpu.wait_dma2 semaphore(%run_scoped3A : memref<!tpu.dma_semaphore, #tpu.memory_space<semaphore_mem>>) src(%arg5 : memref<640x128xf32, #tpu.memory_space<hbm>>) dst(%dma_wait3A_18 : memref<640x128xf32, #tpu.memory_space<vmem_shared>>)
      tpu.yield
    }) : () -> ()
    %barrier3A = arith.constant 0 : index
    tpu.barrier barrier_id(%barrier3A)
    %mul3A_1 = arith.constant 16 : i32
    %mul3A_2 = arith.muli %arg0, %mul3A_1 : i32
    %add3A = arith.addi %mul3A_2, %arg1 : i32
    %mul3A_3 = arith.constant 157 : i32
    %mul3A_4 = arith.muli %add3A, %mul3A_3 : i32
    %mul3A_5 = arith.constant 128 : i32
    %mul3A_6 = arith.muli %mul3A_4, %mul3A_5 : i32
    %scan3A = arith.constant 0 : i32
    %scan3A_7 = arith.constant 0 : i32
    %scan3A_8 = arith.constant 157 : i32
    %scan3A_9 = arith.addi %scan3A_7, %scan3A_8 : i32
    %scan3A_10 = arith.constant 1 : i32
    scf.for %scan3A_17 = %scan3A_7 to %scan3A_9 step %scan3A_10  : i32 {
      %mul3A_18 = arith.constant 128 : i32
      %mul3A_19 = arith.muli %scan3A_17, %mul3A_18 : i32
      %add3A_20 = arith.addi %mul3A_6, %mul3A_19 : i32
      "tpu.region"() ({
        %run_scoped3A = tpu.sem_alloc : memref<!tpu.dma_semaphore, #tpu.memory_space<semaphore_mem>>
        %dma_start3A_25 = tpu.memref_slice %arg2[%add3A_20] : memref<643072xi32, #tpu.memory_space<hbm>> -> memref<128xi32, #tpu.memory_space<hbm>>
        %dma_start3A_26 = tpu.memref_slice %arg2[%add3A_20] : memref<643072xi32, #tpu.memory_space<hbm>> -> memref<128xi32, #tpu.memory_space<hbm>>
        tpu.enqueue_dma source(%dma_start3A_26 : memref<128xi32, #tpu.memory_space<hbm>>) target(%arg7 : memref<128xi32, #tpu.memory_space<vmem>>) target_semaphore(%run_scoped3A : memref<!tpu.dma_semaphore, #tpu.memory_space<semaphore_mem>>)
        %dma_wait3A_27 = tpu.memref_slice %arg2[%add3A_20] : memref<643072xi32, #tpu.memory_space<hbm>> -> memref<128xi32, #tpu.memory_space<hbm>>
        %dma_wait3A_28 = tpu.memref_slice %arg2[%add3A_20] : memref<643072xi32, #tpu.memory_space<hbm>> -> memref<128xi32, #tpu.memory_space<hbm>>
        tpu.wait_dma2 semaphore(%run_scoped3A : memref<!tpu.dma_semaphore, #tpu.memory_space<semaphore_mem>>) src(%dma_wait3A_28 : memref<128xi32, #tpu.memory_space<hbm>>) dst(%arg7 : memref<128xi32, #tpu.memory_space<vmem>>)
        tpu.yield
      }) : () -> ()
      "tpu.region"() ({
        %run_scoped3A = tpu.sem_alloc : memref<!tpu.dma_semaphore, #tpu.memory_space<semaphore_mem>>
        %dma_start3A_25 = tpu.memref_slice %arg3[%add3A_20] : memref<643072xi32, #tpu.memory_space<hbm>> -> memref<128xi32, #tpu.memory_space<hbm>>
        %dma_start3A_26 = tpu.memref_slice %arg3[%add3A_20] : memref<643072xi32, #tpu.memory_space<hbm>> -> memref<128xi32, #tpu.memory_space<hbm>>
        tpu.enqueue_dma source(%dma_start3A_26 : memref<128xi32, #tpu.memory_space<hbm>>) target(%arg8 : memref<128xi32, #tpu.memory_space<vmem>>) target_semaphore(%run_scoped3A : memref<!tpu.dma_semaphore, #tpu.memory_space<semaphore_mem>>)
        %dma_wait3A_27 = tpu.memref_slice %arg3[%add3A_20] : memref<643072xi32, #tpu.memory_space<hbm>> -> memref<128xi32, #tpu.memory_space<hbm>>
        %dma_wait3A_28 = tpu.memref_slice %arg3[%add3A_20] : memref<643072xi32, #tpu.memory_space<hbm>> -> memref<128xi32, #tpu.memory_space<hbm>>
        tpu.wait_dma2 semaphore(%run_scoped3A : memref<!tpu.dma_semaphore, #tpu.memory_space<semaphore_mem>>) src(%dma_wait3A_28 : memref<128xi32, #tpu.memory_space<hbm>>) dst(%arg8 : memref<128xi32, #tpu.memory_space<vmem>>)
        tpu.yield
      }) : () -> ()
      %dma_start3A = arith.constant 0 : i32
      %dma_start3A_21 = arith.constant 0 : i32
      %dma_start3A_22 = tpu.memref_slice %arg4[%dma_start3A, %dma_start3A_21] : memref<10000x128xf32, #tpu.memory_space<hbm>> -> memref<10000x128xf32, #tpu.memory_space<hbm>>
      tpu.enqueue_indirect_dma source(%dma_start3A_22 : memref<10000x128xf32, #tpu.memory_space<hbm>>) target(%arg9 : memref<128x128xf32, #tpu.memory_space<vmem>>) offsets(%arg7 : memref<128xi32, #tpu.memory_space<vmem>>) semaphore(%arg11 : memref<!tpu.dma_semaphore, #tpu.memory_space<semaphore_mem>>)
      %dma_wait3A = arith.constant 0 : i32
      %dma_wait3A_23 = arith.constant 0 : i32
      %dma_wait3A_24 = tpu.memref_slice %arg4[%dma_wait3A, %dma_wait3A_23] : memref<10000x128xf32, #tpu.memory_space<hbm>> -> memref<10000x128xf32, #tpu.memory_space<hbm>>
      tpu.wait_indirect_dma semaphore(%arg11 : memref<!tpu.dma_semaphore, #tpu.memory_space<semaphore_mem>>) src(%dma_wait3A_24 : memref<10000x128xf32, #tpu.memory_space<hbm>>) dst(%arg9 : memref<128x128xf32, #tpu.memory_space<vmem>>)
      "tpu.region"() ({
        %run_scoped3A = tpu.sem_alloc : memref<!tpu.dma_semaphore, #tpu.memory_space<semaphore_mem>>
        %dma_start3A_25 = arith.constant 0 : i32
        %dma_start3A_26 = arith.constant 0 : i32
        %dma_start3A_27 = tpu.memref_slice %arg10[%dma_start3A_25, %dma_start3A_26] : memref<10240x128xf32, #tpu.memory_space<vmem_shared>> -> memref<10240x128xf32, #tpu.memory_space<vmem_shared>>
        tpu.enqueue_indirect_dma source(%arg9 : memref<128x128xf32, #tpu.memory_space<vmem>>) target(%dma_start3A_27 : memref<10240x128xf32, #tpu.memory_space<vmem_shared>>) offsets(%arg8 : memref<128xi32, #tpu.memory_space<vmem>>) semaphore(%run_scoped3A : memref<!tpu.dma_semaphore, #tpu.memory_space<semaphore_mem>>) {add = true}
        %dma_wait3A_28 = arith.constant 0 : i32
        %dma_wait3A_29 = arith.constant 0 : i32
        %dma_wait3A_30 = tpu.memref_slice %arg10[%dma_wait3A_28, %dma_wait3A_29] : memref<10240x128xf32, #tpu.memory_space<vmem_shared>> -> memref<10240x128xf32, #tpu.memory_space<vmem_shared>>
        tpu.wait_indirect_dma semaphore(%run_scoped3A : memref<!tpu.dma_semaphore, #tpu.memory_space<semaphore_mem>>) src(%arg9 : memref<128x128xf32, #tpu.memory_space<vmem>>) dst(%dma_wait3A_30 : memref<10240x128xf32, #tpu.memory_space<vmem_shared>>)
        tpu.yield
      }) : () -> ()
    }
    %scan3A_11 = arith.constant 157 : i32
    %barrier3A_12 = arith.constant 0 : index
    tpu.barrier barrier_id(%barrier3A_12)
    %mul3A_13 = arith.constant 640 : i32
    %mul3A_14 = arith.muli %arg1, %mul3A_13 : i32
    %mul3A_15 = arith.constant 640 : i32
    %mul3A_16 = arith.muli %arg1, %mul3A_15 : i32
    "tpu.region"() ({
      %run_scoped3A = tpu.sem_alloc : memref<!tpu.dma_semaphore, #tpu.memory_space<semaphore_mem>>
      %dma_start3A = arith.constant 0 : i32
      %dma_start3A_17 = arith.constant 0 : i32
      %dma_start3A_18 = tpu.memref_slice %arg6[%arg0, %dma_start3A, %dma_start3A_17] : memref<2x10240x128xf32, #tpu.memory_space<hbm>> -> memref<1x10240x128xf32, #tpu.memory_space<hbm>>
      %dma_start3A_19 = tpu.memref_squeeze %dma_start3A_18 : memref<1x10240x128xf32, #tpu.memory_space<hbm>> -> memref<10240x128xf32, #tpu.memory_space<hbm>>
      %dma_start3A_20 = arith.constant 0 : i32
      %dma_start3A_21 = tpu.memref_slice %dma_start3A_19[%mul3A_16, %dma_start3A_20] : memref<10240x128xf32, #tpu.memory_space<hbm>> -> memref<640x128xf32, #tpu.memory_space<hbm>>
      %dma_start3A_22 = arith.constant 0 : i32
      %dma_start3A_23 = tpu.memref_slice %arg10[%mul3A_14, %dma_start3A_22] : memref<10240x128xf32, #tpu.memory_space<vmem_shared>> -> memref<640x128xf32, #tpu.memory_space<vmem_shared>>
      tpu.enqueue_dma source(%dma_start3A_23 : memref<640x128xf32, #tpu.memory_space<vmem_shared>>) target(%dma_start3A_21 : memref<640x128xf32, #tpu.memory_space<hbm>>) target_semaphore(%run_scoped3A : memref<!tpu.dma_semaphore, #tpu.memory_space<semaphore_mem>>)
      %dma_wait3A = arith.constant 0 : i32
      %dma_wait3A_24 = arith.constant 0 : i32
      %dma_wait3A_25 = tpu.memref_slice %arg6[%arg0, %dma_wait3A, %dma_wait3A_24] : memref<2x10240x128xf32, #tpu.memory_space<hbm>> -> memref<1x10240x128xf32, #tpu.memory_space<hbm>>
      %dma_wait3A_26 = tpu.memref_squeeze %dma_wait3A_25 : memref<1x10240x128xf32, #tpu.memory_space<hbm>> -> memref<10240x128xf32, #tpu.memory_space<hbm>>
      %dma_wait3A_27 = arith.constant 0 : i32
      %dma_wait3A_28 = tpu.memref_slice %dma_wait3A_26[%mul3A_16, %dma_wait3A_27] : memref<10240x128xf32, #tpu.memory_space<hbm>> -> memref<640x128xf32, #tpu.memory_space<hbm>>
      %dma_wait3A_29 = arith.constant 0 : i32
      %dma_wait3A_30 = tpu.memref_slice %arg10[%mul3A_14, %dma_wait3A_29] : memref<10240x128xf32, #tpu.memory_space<vmem_shared>> -> memref<640x128xf32, #tpu.memory_space<vmem_shared>>
      tpu.wait_dma2 semaphore(%run_scoped3A : memref<!tpu.dma_semaphore, #tpu.memory_space<semaphore_mem>>) src(%dma_wait3A_30 : memref<640x128xf32, #tpu.memory_space<vmem_shared>>) dst(%dma_wait3A_28 : memref<640x128xf32, #tpu.memory_space<hbm>>)
      tpu.yield
    }) : () -> ()
    return
  }
}

module attributes {stable_mosaic.version = 14 : i64} {
  func.func @_prep_body(%arg0: memref<10000x128xf32, #tpu.memory_space<vmem>>, %arg1: memref<10000x1xf32, #tpu.memory_space<vmem>>, %arg2: memref<10000x128xf32, #tpu.memory_space<vmem>>, %arg3: memref<10000x1xf32, #tpu.memory_space<vmem>>) attributes {dimension_semantics = [], scalar_prefetch = 0 : i64, scratch_operands = 0 : i64, tpu.core_type = #tpu.core_type<tc>} {
    %get3A = arith.constant 0 : index
    %get3A_0 = arith.constant 0 : index
    %get3A_1 = vector.load %arg0[%get3A, %get3A_0] : memref<10000x128xf32, #tpu.memory_space<vmem>>, vector<10000x128xf32>
    %get3A_2 = arith.constant 0 : index
    %get3A_3 = arith.constant 0 : index
    %get3A_4 = vector.load %arg1[%get3A_2, %get3A_3] : memref<10000x1xf32, #tpu.memory_space<vmem>>, vector<10000x1xf32>
    %bitcast_convert_type3A = tpu.bitcast %get3A_4 : vector<10000x1xf32> -> vector<10000x1xi32>
    %lt3A = arith.constant 0 : i32
    %lt3A_5 = vector.broadcast %lt3A : i32 to vector<10000x1xi32>
    %lt3A_6 = arith.cmpi slt, %bitcast_convert_type3A, %lt3A_5 : vector<10000x1xi32>
    %not3A = arith.constant dense<-1> : vector<10000x1xi32>
    %not3A_7 = arith.xori %bitcast_convert_type3A, %not3A : vector<10000x1xi32>
    %xor3A = arith.constant -2147483648 : i32
    %xor3A_8 = vector.broadcast %xor3A : i32 to vector<10000x1xi32>
    %xor3A_9 = arith.xori %bitcast_convert_type3A, %xor3A_8 : vector<10000x1xi32>
    %select_n3A = arith.select %lt3A_6, %not3A_7, %xor3A_9 : vector<10000x1xi1>, vector<10000x1xi32>
    %scan3A = arith.constant 0 : i32
    %scan3A_10 = arith.constant 0 : i32
    %scan3A_11 = arith.constant 32 : i32
    %scan3A_12 = arith.addi %scan3A_10, %scan3A_11 : i32
    %scan3A_13 = arith.constant 1 : i32
    %scan3A_14 = scf.for %scan3A_25 = %scan3A_10 to %scan3A_12 step %scan3A_13 iter_args(%scan3A_26 = %scan3A) -> (i32)  : i32 {
      %sub3A = arith.constant 31 : i32
      %sub3A_27 = arith.subi %sub3A, %scan3A_25 : i32
      %shift_left3A = arith.constant 1 : i32
      %shift_left3A_28 = arith.shli %shift_left3A, %sub3A_27 : i32
      %or3A = arith.ori %scan3A_26, %shift_left3A_28 : i32
      %ge3A_29 = vector.broadcast %or3A : i32 to vector<10000x1xi32>
      %ge3A_30 = arith.cmpi uge, %select_n3A, %ge3A_29 : vector<10000x1xi32>
      %convert_element_type3A_31 = arith.extui %ge3A_30 : vector<10000x1xi1> to vector<10000x1xi32>
      %reduce_sum3A = vector.shape_cast %convert_element_type3A_31 : vector<10000x1xi32> to vector<1x10000x1xi32>
      %reduce_sum3A_32 = arith.constant dense<0> : vector<1xi32>
      %reduce_sum3A_33 = vector.multi_reduction <add>, %reduce_sum3A, %reduce_sum3A_32 [1, 2] : vector<1x10000x1xi32> to vector<1xi32>
      %reduce_sum3A_34 = vector.shape_cast %reduce_sum3A_33 : vector<1xi32> to vector<1x1x1xi32>
      %reduce_sum3A_35 = vector.extract %reduce_sum3A_34[0, 0, 0] : i32 from vector<1x1x1xi32>
      %ge3A_36 = arith.constant 5000 : i32
      %ge3A_37 = arith.cmpi sge, %reduce_sum3A_35, %ge3A_36 : i32
      %select_n3A_38 = arith.select %ge3A_37, %or3A, %scan3A_26 : i32
      scf.yield %select_n3A_38 : i32
    }
    %scan3A_15 = arith.constant 32 : i32
    %ge3A = vector.broadcast %scan3A_14 : i32 to vector<10000x1xi32>
    %ge3A_16 = arith.cmpi uge, %select_n3A, %ge3A : vector<10000x1xi32>
    %convert_element_type3A = arith.extui %ge3A_16 : vector<10000x1xi1> to vector<10000x1xi32>
    %convert_element_type3A_17 = arith.sitofp %convert_element_type3A : vector<10000x1xi32> to vector<10000x1xf32>
    %mul3A = arith.mulf %get3A_4, %convert_element_type3A_17 : vector<10000x1xf32>
    %mul3A_18 = vector.broadcast %mul3A : vector<10000x1xf32> to vector<10000x128xf32>
    %mul3A_19 = arith.mulf %get3A_1, %mul3A_18 : vector<10000x128xf32>
    %swap3A = arith.constant 0 : index
    %swap3A_20 = arith.constant 0 : index
    %swap3A_21 = vector.load %arg2[%swap3A, %swap3A_20] : memref<10000x128xf32, #tpu.memory_space<vmem>>, vector<10000x128xf32>
    tpu.vector_store %arg2[%swap3A, %swap3A_20], %mul3A_19 {strides = array<i32>} : memref<10000x128xf32, #tpu.memory_space<vmem>>, vector<10000x128xf32>,
    %swap3A_22 = arith.constant 0 : index
    %swap3A_23 = arith.constant 0 : index
    %swap3A_24 = vector.load %arg3[%swap3A_22, %swap3A_23] : memref<10000x1xf32, #tpu.memory_space<vmem>>, vector<10000x1xf32>
    tpu.vector_store %arg3[%swap3A_22, %swap3A_23], %convert_element_type3A_17 {strides = array<i32>} : memref<10000x1xf32, #tpu.memory_space<vmem>>, vector<10000x1xf32>,
    return
  }
}

module attributes {stable_mosaic.version = 14 : i64} {
  func.func @_mlp_down_body(%arg0: i32, %arg1: memref<2000x128xf32, #tpu.memory_space<vmem>>, %arg2: memref<2000x128xf32, #tpu.memory_space<vmem>>, %arg3: memref<2000x1xf32, #tpu.memory_space<vmem>>, %arg4: memref<128x128xf32, #tpu.memory_space<vmem>>, %arg5: memref<1x128xf32, #tpu.memory_space<vmem>>, %arg6: memref<128x128xf32, #tpu.memory_space<vmem>>, %arg7: memref<1x128xf32, #tpu.memory_space<vmem>>, %arg8: memref<128x128xf32, #tpu.memory_space<vmem>>, %arg9: memref<1x128xf32, #tpu.memory_space<vmem>>, %arg10: memref<1x128xf32, #tpu.memory_space<vmem>>, %arg11: memref<1x128xf32, #tpu.memory_space<vmem>>, %arg12: memref<2000x128xf32, #tpu.memory_space<vmem>>) attributes {dimension_semantics = [#tpu.dimension_semantics<arbitrary>], iteration_bounds = array<i64: 5>, scalar_prefetch = 0 : i64, scratch_operands = 0 : i64, tpu.core_type = #tpu.core_type<tc>, window_params = [{transform_indices = @transform_0, window_bounds = array<i64: 2000, 128>}, {transform_indices = @transform_1, window_bounds = array<i64: 2000, 128>}, {transform_indices = @transform_2, window_bounds = array<i64: 2000, 1>}, {pipeline_mode = #tpu.pipeline_mode<synchronous>, transform_indices = @transform_3, window_bounds = array<i64: 128, 128>}, {pipeline_mode = #tpu.pipeline_mode<synchronous>, transform_indices = @transform_4, window_bounds = array<i64: 1, 128>}, {pipeline_mode = #tpu.pipeline_mode<synchronous>, transform_indices = @transform_5, window_bounds = array<i64: 128, 128>}, {pipeline_mode = #tpu.pipeline_mode<synchronous>, transform_indices = @transform_6, window_bounds = array<i64: 1, 128>}, {pipeline_mode = #tpu.pipeline_mode<synchronous>, transform_indices = @transform_7, window_bounds = array<i64: 128, 128>}, {pipeline_mode = #tpu.pipeline_mode<synchronous>, transform_indices = @transform_8, window_bounds = array<i64: 1, 128>}, {pipeline_mode = #tpu.pipeline_mode<synchronous>, transform_indices = @transform_9, window_bounds = array<i64: 1, 128>}, {pipeline_mode = #tpu.pipeline_mode<synchronous>, transform_indices = @transform_10, window_bounds = array<i64: 1, 128>}, {transform_indices = @transform_11, window_bounds = array<i64: 2000, 128>}]} {
    %get3A = arith.constant 0 : index
    %get3A_0 = arith.constant 0 : index
    %get3A_1 = vector.load %arg1[%get3A, %get3A_0] : memref<2000x128xf32, #tpu.memory_space<vmem>>, vector<2000x128xf32>
    %get3A_2 = arith.constant 0 : index
    %get3A_3 = arith.constant 0 : index
    %get3A_4 = vector.load %arg2[%get3A_2, %get3A_3] : memref<2000x128xf32, #tpu.memory_space<vmem>>, vector<2000x128xf32>
    %add3A = arith.addf %get3A_1, %get3A_4 : vector<2000x128xf32>
    %get3A_5 = arith.constant 0 : index
    %get3A_6 = arith.constant 0 : index
    %get3A_7 = vector.load %arg4[%get3A_5, %get3A_6] : memref<128x128xf32, #tpu.memory_space<vmem>>, vector<128x128xf32>
    %dot_general3A = arith.constant dense<0.000000e+00> : vector<2000x128xf32>
    %dot_general3A_8 = tpu.matmul %add3A, %get3A_7, %dot_general3A {dimension_numbers = #tpu.dot_dimension_numbers<[1], [0], [0], [1], [0, 0, 1, 1], [], []>, transpose_lhs_hint = false} : vector<2000x128xf32>, vector<128x128xf32>, vector<2000x128xf32> -> vector<2000x128xf32>
    %get3A_9 = arith.constant 0 : index
    %get3A_10 = arith.constant 0 : index
    %get3A_11 = vector.load %arg5[%get3A_9, %get3A_10] : memref<1x128xf32, #tpu.memory_space<vmem>>, vector<1x128xf32>
    %add3A_12 = vector.broadcast %get3A_11 : vector<1x128xf32> to vector<2000x128xf32>
    %add3A_13 = arith.addf %dot_general3A_8, %add3A_12 : vector<2000x128xf32>
    %mul3A = arith.constant 5.000000e-01 : f32
    %mul3A_14 = vector.broadcast %mul3A : f32 to vector<2000x128xf32>
    %mul3A_15 = arith.mulf %add3A_13, %mul3A_14 : vector<2000x128xf32>
    %mul3A_16 = arith.constant 0.707106769 : f32
    %mul3A_17 = vector.broadcast %mul3A_16 : f32 to vector<2000x128xf32>
    %mul3A_18 = arith.mulf %add3A_13, %mul3A_17 : vector<2000x128xf32>
    %erf3A = math.erf %mul3A_18 : vector<2000x128xf32>
    %add3A_19 = arith.constant 1.000000e+00 : f32
    %add3A_20 = vector.broadcast %add3A_19 : f32 to vector<2000x128xf32>
    %add3A_21 = arith.addf %add3A_20, %erf3A : vector<2000x128xf32>
    %mul3A_22 = arith.mulf %mul3A_15, %add3A_21 : vector<2000x128xf32>
    %get3A_23 = arith.constant 0 : index
    %get3A_24 = arith.constant 0 : index
    %get3A_25 = vector.load %arg6[%get3A_23, %get3A_24] : memref<128x128xf32, #tpu.memory_space<vmem>>, vector<128x128xf32>
    %dot_general3A_26 = arith.constant dense<0.000000e+00> : vector<2000x128xf32>
    %dot_general3A_27 = tpu.matmul %mul3A_22, %get3A_25, %dot_general3A_26 {dimension_numbers = #tpu.dot_dimension_numbers<[1], [0], [0], [1], [0, 0, 1, 1], [], []>, transpose_lhs_hint = false} : vector<2000x128xf32>, vector<128x128xf32>, vector<2000x128xf32> -> vector<2000x128xf32>
    %get3A_28 = arith.constant 0 : index
    %get3A_29 = arith.constant 0 : index
    %get3A_30 = vector.load %arg7[%get3A_28, %get3A_29] : memref<1x128xf32, #tpu.memory_space<vmem>>, vector<1x128xf32>
    %add3A_31 = vector.broadcast %get3A_30 : vector<1x128xf32> to vector<2000x128xf32>
    %add3A_32 = arith.addf %dot_general3A_27, %add3A_31 : vector<2000x128xf32>
    %mul3A_33 = arith.constant 5.000000e-01 : f32
    %mul3A_34 = vector.broadcast %mul3A_33 : f32 to vector<2000x128xf32>
    %mul3A_35 = arith.mulf %add3A_32, %mul3A_34 : vector<2000x128xf32>
    %mul3A_36 = arith.constant 0.707106769 : f32
    %mul3A_37 = vector.broadcast %mul3A_36 : f32 to vector<2000x128xf32>
    %mul3A_38 = arith.mulf %add3A_32, %mul3A_37 : vector<2000x128xf32>
    %erf3A_39 = math.erf %mul3A_38 : vector<2000x128xf32>
    %add3A_40 = arith.constant 1.000000e+00 : f32
    %add3A_41 = vector.broadcast %add3A_40 : f32 to vector<2000x128xf32>
    %add3A_42 = arith.addf %add3A_41, %erf3A_39 : vector<2000x128xf32>
    %mul3A_43 = arith.mulf %mul3A_35, %add3A_42 : vector<2000x128xf32>
    %get3A_44 = arith.constant 0 : index
    %get3A_45 = arith.constant 0 : index
    %get3A_46 = vector.load %arg8[%get3A_44, %get3A_45] : memref<128x128xf32, #tpu.memory_space<vmem>>, vector<128x128xf32>
    %dot_general3A_47 = arith.constant dense<0.000000e+00> : vector<2000x128xf32>
    %dot_general3A_48 = tpu.matmul %mul3A_43, %get3A_46, %dot_general3A_47 {dimension_numbers = #tpu.dot_dimension_numbers<[1], [0], [0], [1], [0, 0, 1, 1], [], []>, transpose_lhs_hint = false} : vector<2000x128xf32>, vector<128x128xf32>, vector<2000x128xf32> -> vector<2000x128xf32>
    %get3A_49 = arith.constant 0 : index
    %get3A_50 = arith.constant 0 : index
    %get3A_51 = vector.load %arg9[%get3A_49, %get3A_50] : memref<1x128xf32, #tpu.memory_space<vmem>>, vector<1x128xf32>
    %add3A_52 = vector.broadcast %get3A_51 : vector<1x128xf32> to vector<2000x128xf32>
    %add3A_53 = arith.addf %dot_general3A_48, %add3A_52 : vector<2000x128xf32>
    %get3A_54 = arith.constant 0 : index
    %get3A_55 = arith.constant 0 : index
    %get3A_56 = vector.load %arg10[%get3A_54, %get3A_55] : memref<1x128xf32, #tpu.memory_space<vmem>>, vector<1x128xf32>
    %get3A_57 = arith.constant 0 : index
    %get3A_58 = arith.constant 0 : index
    %get3A_59 = vector.load %arg11[%get3A_57, %get3A_58] : memref<1x128xf32, #tpu.memory_space<vmem>>, vector<1x128xf32>
    %reduce_sum3A = arith.constant dense<0.000000e+00> : vector<2000xf32>
    %reduce_sum3A_60 = vector.multi_reduction <add>, %add3A_53, %reduce_sum3A [1] : vector<2000x128xf32> to vector<2000xf32>
    %broadcast_in_dim3A = vector.shape_cast %reduce_sum3A_60 : vector<2000xf32> to vector<2000x1xf32>
    %div3A = arith.constant 1.280000e+02 : f32
    %div3A_61 = vector.broadcast %div3A : f32 to vector<2000x1xf32>
    %div3A_62 = arith.divf %broadcast_in_dim3A, %div3A_61 : vector<2000x1xf32>
    %sub3A = vector.broadcast %div3A_62 : vector<2000x1xf32> to vector<2000x128xf32>
    %sub3A_63 = arith.subf %add3A_53, %sub3A : vector<2000x128xf32>
    %mul3A_64 = arith.mulf %sub3A_63, %sub3A_63 : vector<2000x128xf32>
    %reduce_sum3A_65 = arith.constant dense<0.000000e+00> : vector<2000xf32>
    %reduce_sum3A_66 = vector.multi_reduction <add>, %mul3A_64, %reduce_sum3A_65 [1] : vector<2000x128xf32> to vector<2000xf32>
    %broadcast_in_dim3A_67 = vector.shape_cast %reduce_sum3A_66 : vector<2000xf32> to vector<2000x1xf32>
    %div3A_68 = arith.constant 1.280000e+02 : f32
    %div3A_69 = vector.broadcast %div3A_68 : f32 to vector<2000x1xf32>
    %div3A_70 = arith.divf %broadcast_in_dim3A_67, %div3A_69 : vector<2000x1xf32>
    %add3A_71 = arith.constant 9.99999974E-6 : f32
    %add3A_72 = vector.broadcast %add3A_71 : f32 to vector<2000x1xf32>
    %add3A_73 = arith.addf %div3A_70, %add3A_72 : vector<2000x1xf32>
    %sqrt3A = math.sqrt %add3A_73 : vector<2000x1xf32>
    %div3A_74 = vector.broadcast %sqrt3A : vector<2000x1xf32> to vector<2000x128xf32>
    %div3A_75 = arith.divf %sub3A_63, %div3A_74 : vector<2000x128xf32>
    %mul3A_76 = vector.broadcast %get3A_56 : vector<1x128xf32> to vector<2000x128xf32>
    %mul3A_77 = arith.mulf %div3A_75, %mul3A_76 : vector<2000x128xf32>
    %add3A_78 = vector.broadcast %get3A_59 : vector<1x128xf32> to vector<2000x128xf32>
    %add3A_79 = arith.addf %mul3A_77, %add3A_78 : vector<2000x128xf32>
    %get3A_80 = arith.constant 0 : index
    %get3A_81 = arith.constant 0 : index
    %get3A_82 = vector.load %arg3[%get3A_80, %get3A_81] : memref<2000x1xf32, #tpu.memory_space<vmem>>, vector<2000x1xf32>
    %mul3A_83 = vector.broadcast %get3A_82 : vector<2000x1xf32> to vector<2000x128xf32>
    %mul3A_84 = arith.mulf %add3A_79, %mul3A_83 : vector<2000x128xf32>
    %swap3A = arith.constant 0 : index
    %swap3A_85 = arith.constant 0 : index
    %swap3A_86 = vector.load %arg12[%swap3A, %swap3A_85] : memref<2000x128xf32, #tpu.memory_space<vmem>>, vector<2000x128xf32>
    tpu.vector_store %arg12[%swap3A, %swap3A_85], %mul3A_84 {strides = array<i32>} : memref<2000x128xf32, #tpu.memory_space<vmem>>, vector<2000x128xf32>,
    return
  }
  func.func @transform_0(%arg0: i32) -> (i32, i32) {
    %c0_i32 = arith.constant 0 : i32
    %c0_i32_0 = arith.constant 0 : i32
    return %arg0, %c0_i32 : i32, i32
  }
  func.func @transform_1(%arg0: i32) -> (i32, i32) {
    %c0_i32 = arith.constant 0 : i32
    %c0_i32_0 = arith.constant 0 : i32
    return %arg0, %c0_i32 : i32, i32
  }
  func.func @transform_2(%arg0: i32) -> (i32, i32) {
    %c0_i32 = arith.constant 0 : i32
    %c0_i32_0 = arith.constant 0 : i32
    return %arg0, %c0_i32 : i32, i32
  }
  func.func @transform_3(%arg0: i32) -> (i32, i32) {
    %c0_i32 = arith.constant 0 : i32
    %c0_i32_0 = arith.constant 0 : i32
    %c0_i32_1 = arith.constant 0 : i32
    return %c0_i32, %c0_i32_0 : i32, i32
  }
  func.func @transform_4(%arg0: i32) -> (i32, i32) {
    %c0_i32 = arith.constant 0 : i32
    %c0_i32_0 = arith.constant 0 : i32
    %c0_i32_1 = arith.constant 0 : i32
    return %c0_i32, %c0_i32_0 : i32, i32
  }
  func.func @transform_5(%arg0: i32) -> (i32, i32) {
    %c0_i32 = arith.constant 0 : i32
    %c0_i32_0 = arith.constant 0 : i32
    %c0_i32_1 = arith.constant 0 : i32
    return %c0_i32, %c0_i32_0 : i32, i32
  }
  func.func @transform_6(%arg0: i32) -> (i32, i32) {
    %c0_i32 = arith.constant 0 : i32
    %c0_i32_0 = arith.constant 0 : i32
    %c0_i32_1 = arith.constant 0 : i32
    return %c0_i32, %c0_i32_0 : i32, i32
  }
  func.func @transform_7(%arg0: i32) -> (i32, i32) {
    %c0_i32 = arith.constant 0 : i32
    %c0_i32_0 = arith.constant 0 : i32
    %c0_i32_1 = arith.constant 0 : i32
    return %c0_i32, %c0_i32_0 : i32, i32
  }
  func.func @transform_8(%arg0: i32) -> (i32, i32) {
    %c0_i32 = arith.constant 0 : i32
    %c0_i32_0 = arith.constant 0 : i32
    %c0_i32_1 = arith.constant 0 : i32
    return %c0_i32, %c0_i32_0 : i32, i32
  }
  func.func @transform_9(%arg0: i32) -> (i32, i32) {
    %c0_i32 = arith.constant 0 : i32
    %c0_i32_0 = arith.constant 0 : i32
    %c0_i32_1 = arith.constant 0 : i32
    return %c0_i32, %c0_i32_0 : i32, i32
  }
  func.func @transform_10(%arg0: i32) -> (i32, i32) {
    %c0_i32 = arith.constant 0 : i32
    %c0_i32_0 = arith.constant 0 : i32
    %c0_i32_1 = arith.constant 0 : i32
    return %c0_i32, %c0_i32_0 : i32, i32
  }
  func.func @transform_11(%arg0: i32) -> (i32, i32) {
    %c0_i32 = arith.constant 0 : i32
    %c0_i32_0 = arith.constant 0 : i32
    return %arg0, %c0_i32 : i32, i32
  }
}

module attributes {stable_mosaic.version = 14 : i64} {
  func.func @_mlp_up_body(%arg0: i32, %arg1: memref<2000x128xf32, #tpu.memory_space<vmem>>, %arg2: memref<2000x128xf32, #tpu.memory_space<vmem>>, %arg3: memref<128x128xf32, #tpu.memory_space<vmem>>, %arg4: memref<128x128xf32, #tpu.memory_space<vmem>>, %arg5: memref<1x128xf32, #tpu.memory_space<vmem>>, %arg6: memref<128x128xf32, #tpu.memory_space<vmem>>, %arg7: memref<1x128xf32, #tpu.memory_space<vmem>>, %arg8: memref<128x128xf32, #tpu.memory_space<vmem>>, %arg9: memref<1x128xf32, #tpu.memory_space<vmem>>, %arg10: memref<1x128xf32, #tpu.memory_space<vmem>>, %arg11: memref<1x128xf32, #tpu.memory_space<vmem>>, %arg12: memref<2000x128xf32, #tpu.memory_space<vmem>>) attributes {dimension_semantics = [#tpu.dimension_semantics<arbitrary>], iteration_bounds = array<i64: 5>, scalar_prefetch = 0 : i64, scratch_operands = 0 : i64, tpu.core_type = #tpu.core_type<tc>, window_params = [{transform_indices = @transform_0, window_bounds = array<i64: 2000, 128>}, {transform_indices = @transform_1, window_bounds = array<i64: 2000, 128>}, {pipeline_mode = #tpu.pipeline_mode<synchronous>, transform_indices = @transform_2, window_bounds = array<i64: 128, 128>}, {pipeline_mode = #tpu.pipeline_mode<synchronous>, transform_indices = @transform_3, window_bounds = array<i64: 128, 128>}, {pipeline_mode = #tpu.pipeline_mode<synchronous>, transform_indices = @transform_4, window_bounds = array<i64: 1, 128>}, {pipeline_mode = #tpu.pipeline_mode<synchronous>, transform_indices = @transform_5, window_bounds = array<i64: 128, 128>}, {pipeline_mode = #tpu.pipeline_mode<synchronous>, transform_indices = @transform_6, window_bounds = array<i64: 1, 128>}, {pipeline_mode = #tpu.pipeline_mode<synchronous>, transform_indices = @transform_7, window_bounds = array<i64: 128, 128>}, {pipeline_mode = #tpu.pipeline_mode<synchronous>, transform_indices = @transform_8, window_bounds = array<i64: 1, 128>}, {pipeline_mode = #tpu.pipeline_mode<synchronous>, transform_indices = @transform_9, window_bounds = array<i64: 1, 128>}, {pipeline_mode = #tpu.pipeline_mode<synchronous>, transform_indices = @transform_10, window_bounds = array<i64: 1, 128>}, {transform_indices = @transform_11, window_bounds = array<i64: 2000, 128>}]} {
    %get3A = arith.constant 0 : index
    %get3A_0 = arith.constant 0 : index
    %get3A_1 = vector.load %arg1[%get3A, %get3A_0] : memref<2000x128xf32, #tpu.memory_space<vmem>>, vector<2000x128xf32>
    %get3A_2 = arith.constant 0 : index
    %get3A_3 = arith.constant 0 : index
    %get3A_4 = vector.load %arg3[%get3A_2, %get3A_3] : memref<128x128xf32, #tpu.memory_space<vmem>>, vector<128x128xf32>
    %dot_general3A = arith.constant dense<0.000000e+00> : vector<2000x128xf32>
    %dot_general3A_5 = tpu.matmul %get3A_1, %get3A_4, %dot_general3A {dimension_numbers = #tpu.dot_dimension_numbers<[1], [0], [0], [1], [0, 0, 1, 1], [], []>, transpose_lhs_hint = false} : vector<2000x128xf32>, vector<128x128xf32>, vector<2000x128xf32> -> vector<2000x128xf32>
    %get3A_6 = arith.constant 0 : index
    %get3A_7 = arith.constant 0 : index
    %get3A_8 = vector.load %arg2[%get3A_6, %get3A_7] : memref<2000x128xf32, #tpu.memory_space<vmem>>, vector<2000x128xf32>
    %get3A_9 = arith.constant 0 : index
    %get3A_10 = arith.constant 0 : index
    %get3A_11 = vector.load %arg4[%get3A_9, %get3A_10] : memref<128x128xf32, #tpu.memory_space<vmem>>, vector<128x128xf32>
    %dot_general3A_12 = arith.constant dense<0.000000e+00> : vector<2000x128xf32>
    %dot_general3A_13 = tpu.matmul %get3A_8, %get3A_11, %dot_general3A_12 {dimension_numbers = #tpu.dot_dimension_numbers<[1], [0], [0], [1], [0, 0, 1, 1], [], []>, transpose_lhs_hint = false} : vector<2000x128xf32>, vector<128x128xf32>, vector<2000x128xf32> -> vector<2000x128xf32>
    %add3A = arith.addf %dot_general3A_5, %dot_general3A_13 : vector<2000x128xf32>
    %get3A_14 = arith.constant 0 : index
    %get3A_15 = arith.constant 0 : index
    %get3A_16 = vector.load %arg5[%get3A_14, %get3A_15] : memref<1x128xf32, #tpu.memory_space<vmem>>, vector<1x128xf32>
    %add3A_17 = vector.broadcast %get3A_16 : vector<1x128xf32> to vector<2000x128xf32>
    %add3A_18 = arith.addf %add3A, %add3A_17 : vector<2000x128xf32>
    %mul3A = arith.constant 5.000000e-01 : f32
    %mul3A_19 = vector.broadcast %mul3A : f32 to vector<2000x128xf32>
    %mul3A_20 = arith.mulf %add3A_18, %mul3A_19 : vector<2000x128xf32>
    %mul3A_21 = arith.constant 0.707106769 : f32
    %mul3A_22 = vector.broadcast %mul3A_21 : f32 to vector<2000x128xf32>
    %mul3A_23 = arith.mulf %add3A_18, %mul3A_22 : vector<2000x128xf32>
    %erf3A = math.erf %mul3A_23 : vector<2000x128xf32>
    %add3A_24 = arith.constant 1.000000e+00 : f32
    %add3A_25 = vector.broadcast %add3A_24 : f32 to vector<2000x128xf32>
    %add3A_26 = arith.addf %add3A_25, %erf3A : vector<2000x128xf32>
    %mul3A_27 = arith.mulf %mul3A_20, %add3A_26 : vector<2000x128xf32>
    %get3A_28 = arith.constant 0 : index
    %get3A_29 = arith.constant 0 : index
    %get3A_30 = vector.load %arg6[%get3A_28, %get3A_29] : memref<128x128xf32, #tpu.memory_space<vmem>>, vector<128x128xf32>
    %dot_general3A_31 = arith.constant dense<0.000000e+00> : vector<2000x128xf32>
    %dot_general3A_32 = tpu.matmul %mul3A_27, %get3A_30, %dot_general3A_31 {dimension_numbers = #tpu.dot_dimension_numbers<[1], [0], [0], [1], [0, 0, 1, 1], [], []>, transpose_lhs_hint = false} : vector<2000x128xf32>, vector<128x128xf32>, vector<2000x128xf32> -> vector<2000x128xf32>
    %get3A_33 = arith.constant 0 : index
    %get3A_34 = arith.constant 0 : index
    %get3A_35 = vector.load %arg7[%get3A_33, %get3A_34] : memref<1x128xf32, #tpu.memory_space<vmem>>, vector<1x128xf32>
    %add3A_36 = vector.broadcast %get3A_35 : vector<1x128xf32> to vector<2000x128xf32>
    %add3A_37 = arith.addf %dot_general3A_32, %add3A_36 : vector<2000x128xf32>
    %mul3A_38 = arith.constant 5.000000e-01 : f32
    %mul3A_39 = vector.broadcast %mul3A_38 : f32 to vector<2000x128xf32>
    %mul3A_40 = arith.mulf %add3A_37, %mul3A_39 : vector<2000x128xf32>
    %mul3A_41 = arith.constant 0.707106769 : f32
    %mul3A_42 = vector.broadcast %mul3A_41 : f32 to vector<2000x128xf32>
    %mul3A_43 = arith.mulf %add3A_37, %mul3A_42 : vector<2000x128xf32>
    %erf3A_44 = math.erf %mul3A_43 : vector<2000x128xf32>
    %add3A_45 = arith.constant 1.000000e+00 : f32
    %add3A_46 = vector.broadcast %add3A_45 : f32 to vector<2000x128xf32>
    %add3A_47 = arith.addf %add3A_46, %erf3A_44 : vector<2000x128xf32>
    %mul3A_48 = arith.mulf %mul3A_40, %add3A_47 : vector<2000x128xf32>
    %get3A_49 = arith.constant 0 : index
    %get3A_50 = arith.constant 0 : index
    %get3A_51 = vector.load %arg8[%get3A_49, %get3A_50] : memref<128x128xf32, #tpu.memory_space<vmem>>, vector<128x128xf32>
    %dot_general3A_52 = arith.constant dense<0.000000e+00> : vector<2000x128xf32>
    %dot_general3A_53 = tpu.matmul %mul3A_48, %get3A_51, %dot_general3A_52 {dimension_numbers = #tpu.dot_dimension_numbers<[1], [0], [0], [1], [0, 0, 1, 1], [], []>, transpose_lhs_hint = false} : vector<2000x128xf32>, vector<128x128xf32>, vector<2000x128xf32> -> vector<2000x128xf32>
    %get3A_54 = arith.constant 0 : index
    %get3A_55 = arith.constant 0 : index
    %get3A_56 = vector.load %arg9[%get3A_54, %get3A_55] : memref<1x128xf32, #tpu.memory_space<vmem>>, vector<1x128xf32>
    %add3A_57 = vector.broadcast %get3A_56 : vector<1x128xf32> to vector<2000x128xf32>
    %add3A_58 = arith.addf %dot_general3A_53, %add3A_57 : vector<2000x128xf32>
    %get3A_59 = arith.constant 0 : index
    %get3A_60 = arith.constant 0 : index
    %get3A_61 = vector.load %arg10[%get3A_59, %get3A_60] : memref<1x128xf32, #tpu.memory_space<vmem>>, vector<1x128xf32>
    %get3A_62 = arith.constant 0 : index
    %get3A_63 = arith.constant 0 : index
    %get3A_64 = vector.load %arg11[%get3A_62, %get3A_63] : memref<1x128xf32, #tpu.memory_space<vmem>>, vector<1x128xf32>
    %reduce_sum3A = arith.constant dense<0.000000e+00> : vector<2000xf32>
    %reduce_sum3A_65 = vector.multi_reduction <add>, %add3A_58, %reduce_sum3A [1] : vector<2000x128xf32> to vector<2000xf32>
    %broadcast_in_dim3A = vector.shape_cast %reduce_sum3A_65 : vector<2000xf32> to vector<2000x1xf32>
    %div3A = arith.constant 1.280000e+02 : f32
    %div3A_66 = vector.broadcast %div3A : f32 to vector<2000x1xf32>
    %div3A_67 = arith.divf %broadcast_in_dim3A, %div3A_66 : vector<2000x1xf32>
    %sub3A = vector.broadcast %div3A_67 : vector<2000x1xf32> to vector<2000x128xf32>
    %sub3A_68 = arith.subf %add3A_58, %sub3A : vector<2000x128xf32>
    %mul3A_69 = arith.mulf %sub3A_68, %sub3A_68 : vector<2000x128xf32>
    %reduce_sum3A_70 = arith.constant dense<0.000000e+00> : vector<2000xf32>
    %reduce_sum3A_71 = vector.multi_reduction <add>, %mul3A_69, %reduce_sum3A_70 [1] : vector<2000x128xf32> to vector<2000xf32>
    %broadcast_in_dim3A_72 = vector.shape_cast %reduce_sum3A_71 : vector<2000xf32> to vector<2000x1xf32>
    %div3A_73 = arith.constant 1.280000e+02 : f32
    %div3A_74 = vector.broadcast %div3A_73 : f32 to vector<2000x1xf32>
    %div3A_75 = arith.divf %broadcast_in_dim3A_72, %div3A_74 : vector<2000x1xf32>
    %add3A_76 = arith.constant 9.99999974E-6 : f32
    %add3A_77 = vector.broadcast %add3A_76 : f32 to vector<2000x1xf32>
    %add3A_78 = arith.addf %div3A_75, %add3A_77 : vector<2000x1xf32>
    %sqrt3A = math.sqrt %add3A_78 : vector<2000x1xf32>
    %div3A_79 = vector.broadcast %sqrt3A : vector<2000x1xf32> to vector<2000x128xf32>
    %div3A_80 = arith.divf %sub3A_68, %div3A_79 : vector<2000x128xf32>
    %mul3A_81 = vector.broadcast %get3A_61 : vector<1x128xf32> to vector<2000x128xf32>
    %mul3A_82 = arith.mulf %div3A_80, %mul3A_81 : vector<2000x128xf32>
    %add3A_83 = vector.broadcast %get3A_64 : vector<1x128xf32> to vector<2000x128xf32>
    %add3A_84 = arith.addf %mul3A_82, %add3A_83 : vector<2000x128xf32>
    %swap3A = arith.constant 0 : index
    %swap3A_85 = arith.constant 0 : index
    %swap3A_86 = vector.load %arg12[%swap3A, %swap3A_85] : memref<2000x128xf32, #tpu.memory_space<vmem>>, vector<2000x128xf32>
    tpu.vector_store %arg12[%swap3A, %swap3A_85], %add3A_84 {strides = array<i32>} : memref<2000x128xf32, #tpu.memory_space<vmem>>, vector<2000x128xf32>,
    return
  }
  func.func @transform_0(%arg0: i32) -> (i32, i32) {
    %c0_i32 = arith.constant 0 : i32
    %c0_i32_0 = arith.constant 0 : i32
    return %arg0, %c0_i32 : i32, i32
  }
  func.func @transform_1(%arg0: i32) -> (i32, i32) {
    %c0_i32 = arith.constant 0 : i32
    %c0_i32_0 = arith.constant 0 : i32
    return %arg0, %c0_i32 : i32, i32
  }
  func.func @transform_2(%arg0: i32) -> (i32, i32) {
    %c0_i32 = arith.constant 0 : i32
    %c0_i32_0 = arith.constant 0 : i32
    %c0_i32_1 = arith.constant 0 : i32
    return %c0_i32, %c0_i32_0 : i32, i32
  }
  func.func @transform_3(%arg0: i32) -> (i32, i32) {
    %c0_i32 = arith.constant 0 : i32
    %c0_i32_0 = arith.constant 0 : i32
    %c0_i32_1 = arith.constant 0 : i32
    return %c0_i32, %c0_i32_0 : i32, i32
  }
  func.func @transform_4(%arg0: i32) -> (i32, i32) {
    %c0_i32 = arith.constant 0 : i32
    %c0_i32_0 = arith.constant 0 : i32
    %c0_i32_1 = arith.constant 0 : i32
    return %c0_i32, %c0_i32_0 : i32, i32
  }
  func.func @transform_5(%arg0: i32) -> (i32, i32) {
    %c0_i32 = arith.constant 0 : i32
    %c0_i32_0 = arith.constant 0 : i32
    %c0_i32_1 = arith.constant 0 : i32
    return %c0_i32, %c0_i32_0 : i32, i32
  }
  func.func @transform_6(%arg0: i32) -> (i32, i32) {
    %c0_i32 = arith.constant 0 : i32
    %c0_i32_0 = arith.constant 0 : i32
    %c0_i32_1 = arith.constant 0 : i32
    return %c0_i32, %c0_i32_0 : i32, i32
  }
  func.func @transform_7(%arg0: i32) -> (i32, i32) {
    %c0_i32 = arith.constant 0 : i32
    %c0_i32_0 = arith.constant 0 : i32
    %c0_i32_1 = arith.constant 0 : i32
    return %c0_i32, %c0_i32_0 : i32, i32
  }
  func.func @transform_8(%arg0: i32) -> (i32, i32) {
    %c0_i32 = arith.constant 0 : i32
    %c0_i32_0 = arith.constant 0 : i32
    %c0_i32_1 = arith.constant 0 : i32
    return %c0_i32, %c0_i32_0 : i32, i32
  }
  func.func @transform_9(%arg0: i32) -> (i32, i32) {
    %c0_i32 = arith.constant 0 : i32
    %c0_i32_0 = arith.constant 0 : i32
    %c0_i32_1 = arith.constant 0 : i32
    return %c0_i32, %c0_i32_0 : i32, i32
  }
  func.func @transform_10(%arg0: i32) -> (i32, i32) {
    %c0_i32 = arith.constant 0 : i32
    %c0_i32_0 = arith.constant 0 : i32
    %c0_i32_1 = arith.constant 0 : i32
    return %c0_i32, %c0_i32_0 : i32, i32
  }
  func.func @transform_11(%arg0: i32) -> (i32, i32) {
    %c0_i32 = arith.constant 0 : i32
    %c0_i32_0 = arith.constant 0 : i32
    return %arg0, %c0_i32 : i32, i32
  }
}

</mosaic_0001>

<sc_bundles>
// kernel: kernel.10.cloned.1.call-start
scs
__scs_entry_jumppad:
0x0: {  	(pc) =	sbr.rel $0x88, $3  }
0x1: {  	(tag) =	ssettag $0x0;
	lr =	simm.s32 $0x1  }
0x2: {  	[smem:$0x3F8E] =	sst lr;
	_ =	strace $0xD0000000  }
0x3: {  	_ = 	snop  }
0x4: {  	_ = 	snop  }
0x5: {  	_ = 	snop  }
0x6: {  	_ = 	snop  }
0x7: {  	_ = 	snop  }
__scs_overlays_trampoline_lowered:
0x8: {  	[smem:$0x3F9D] =	sst s0  }
0x9: {  	[smem:$0x3F9E] =	sst s1  }
0xa: {  	[smem:$0x3F9F] =	sst s2  }
0xb: {  	[smem:$0x3FA0] =	sst s3  }
0xc: {  	[smem:$0x3FA1] =	sst s4  }
0xd: {  	[smem:$0x3FA2] =	sst s5  }
0xe: {  	[smem:$0x3FA3] =	sst s6  }
0xf: {  	[smem:$0x3FA4] =	sst s7  }
0x10: {  	[smem:$0x3FA5] =	sst s8  }
0x11: {  	[smem:$0x3FA6] =	sst s9;
	s0 =	simm.s32 @!p0 $0x0  }
0x12: {  	s1 =	sld [smem:$0x3F8C];
	s0 =	simm.s32 @p0 $0x1  }
0x13: {  	[smem:$0x3FA7] =	sst s0;
	s0 =	simm.s32 @!p1 $0x0  }
0x14: {  	s2 =	sld [smem:$0x3F8B];
	s0 =	simm.s32 @p1 $0x1  }
0x15: {  	[smem:$0x3FA8] =	sst s0;
	s0 =	simm.s32 @!p2 $0x0  }
0x16: {  	s3 =	sld [smem:$0x3FDB];
	s0 =	simm.s32 @p2 $0x1  }
0x17: {  	s4 =	simm.s32 $0x1BF5;
	[smem:$0x3FAA] =	sst s0  }
0x18: {  	s0 =	sld [smem:$0x3F8D];
	_ =	swait.ge [sflag:s4], $0x0  }
0x19: {  	s7 =	sld [smem:$0x3F8E]  }
0x1a: {  	s8 =	sadd.s32 $0xFFFFE003, lr  }
0x1b: {  	s9 =	sadd.s32 $0xFFFFFEF7, lr;
	s5 =	simm.s32 $0xFFFFFFFF;
	p2 =	slt.u32 s8, $0xFFFFF086  }
0x1c: {  	p1 =	slt.u32 s9, $0xF7A;
	s5 =	simm.s32 @!p2 $0x0  }
0x1d: {  	s5 =	simm.s32 @p1 $0x1;
	p0 =	seq.s32 s7, s2  }
0x1e: {  	s7 =	smul.u32 @!p0 $0xF7A, s2;
	p2 =	seq.s32 @!p0 s5, $0x0  }
0x1f: {  	s9 =	smul.u32 $0xF7A, s1;
	s8 =	simm.s32 @!p0 $0x1BF5;
	p2 =	por !p2, p0  }
0x20: {  	[sflag:s8] =	ssyncset.s32 @!p0 $0xFFFFF086;
	s6 =	sadd.s32 @!p0 s3, s7;
	s7 =	simm.s32 @!p0 $0x108  }
0x21: {  	s3 =	sadd.s32 s3, s9;
	s6 =	sadd.s32 @!p0 $0x88, s6;
	s7 =	simm.s32 @p2 $0x1082  }
0x22: {  	[simem:s7], [sflag:s8] =	dma.local @!p0 [hbm:s6], $0xF7A  }
0x23: {  	s9 =	sor.u32 $0xD0000000, s2;
	s6 =	simm.s32 $0x108;
	_ =	swait.ge @!p0 [sflag:s8], $0x0  }
0x24: {  	s3 =	sadd.s32 $0x88, s3;
	s6 =	simm.s32 @!p1 $0x1082;
	[sflag:s4] =	ssyncset.s32 $0xFFFFF086  }
0x25: {  	[simem:s6], [sflag:s4] =	dma.local [hbm:s3], $0xF7A  }
0x26: {  	[smem:$0x3F8E] =	sst s1;
	(tag) =	ssettag s2;
	_ =	strace s9  }
0x27: {  	s1 =	sld [smem:$0x3F9E]  }
0x28: {  	s2 =	sld [smem:$0x3F9F]  }
0x29: {  	s4 =	sld [smem:$0x3FA1]  }
0x2a: {  	p0 =	seq.s32 s5, $0x0;
	s5 =	sld [smem:$0x3FA2]  }
0x2b: {  	s6 =	sld [smem:$0x3FA3]  }
0x2c: {  	s7 =	sld [smem:$0x3FA4]  }
0x2d: {  	s3 =	simm.s32 $0x108;
	s8 =	sld [smem:$0x3FA5]  }
0x2e: {  	s3 =	simm.s32 @!p0 $0x1082;
	s9 =	sld [smem:$0x3FA6]  }
0x2f: {  	lr =	sadd.s32 s0, s3;
	s0 =	sld [smem:$0x3F9D]  }
0x30: {  	s3 =	sld [smem:$0x3FA0]  }
0x31: {  	[smem:$0x3FA9] =	sst s10  }
0x32: {  	s10 =	sld [smem:$0x3FA7];
	_ =	sdelay $0x3  }
0x33: {  	p0 =	seq.s32 s10, $0x1;
	s10 =	sld [smem:$0x3FA9];
	_ =	sdelay $0x3  }
0x34: {  	[smem:$0x3FA9] =	sst s10  }
0x35: {  	s10 =	sld [smem:$0x3FA8];
	_ =	sdelay $0x3  }
0x36: {  	p1 =	seq.s32 s10, $0x1;
	s10 =	sld [smem:$0x3FA9];
	_ =	sdelay $0x3  }
0x37: {  	[smem:$0x3FA9] =	sst s10  }
0x38: {  	s10 =	sld [smem:$0x3FAA]  }
0x39: {  	_ = 	snop;
	(pc) =	sbr.ind lr, $3  }
0x3a: {  	_ = 	snop  }
0x3b: {  	_ = 	snop  }
0x3c: {  	p2 =	seq.s32 s10, $0x1;
	s10 =	sld [smem:$0x3FA9]  }
0x3d: {  	_ =	shalt  }
0x3e: {  	_ =	shalt  }
0x3f: {  	_ =	shalt  }
0x40: {  	_ =	shalt  }
0x41: {  	_ =	shalt  }
0x42: {  	_ =	shalt  }
0x43: {  	_ =	shalt  }
0x44: {  	_ =	shalt  }
0x45: {  	_ =	shalt  }
0x46: {  	_ =	shalt  }
0x47: {  	_ =	shalt  }
0x48: {  	_ =	shalt  }
0x49: {  	_ =	shalt  }
0x4a: {  	_ =	shalt  }
0x4b: {  	_ =	shalt  }
0x4c: {  	_ =	shalt  }
0x4d: {  	_ =	shalt  }
0x4e: {  	_ =	shalt  }
0x4f: {  	_ =	shalt  }
0x50: {  	_ =	shalt  }
0x51: {  	_ =	shalt  }
0x52: {  	_ =	shalt  }
0x53: {  	_ =	shalt  }
0x54: {  	_ =	shalt  }
0x55: {  	_ =	shalt  }
0x56: {  	_ =	shalt  }
0x57: {  	_ =	shalt  }
0x58: {  	_ =	shalt  }
0x59: {  	_ =	shalt  }
0x5a: {  	_ =	shalt  }
0x5b: {  	_ =	shalt  }
0x5c: {  	_ =	shalt  }
0x5d: {  	_ =	shalt  }
0x5e: {  	_ =	shalt  }
0x5f: {  	_ =	shalt  }
0x60: {  	_ =	shalt  }
0x61: {  	_ =	shalt  }
0x62: {  	_ =	shalt  }
0x63: {  	_ =	shalt  }
0x64: {  	_ =	shalt  }
0x65: {  	_ =	shalt  }
0x66: {  	_ =	shalt  }
0x67: {  	_ =	shalt  }
0x68: {  	_ =	shalt  }
0x69: {  	_ =	shalt  }
0x6a: {  	_ =	shalt  }
0x6b: {  	_ =	shalt  }
0x6c: {  	_ =	shalt  }
0x6d: {  	_ =	shalt  }
0x6e: {  	_ =	shalt  }
0x6f: {  	_ =	shalt  }
0x70: {  	_ =	shalt  }
0x71: {  	_ =	shalt  }
0x72: {  	_ =	shalt  }
0x73: {  	_ =	shalt  }
0x74: {  	_ =	shalt  }
0x75: {  	_ =	shalt  }
0x76: {  	_ =	shalt  }
0x77: {  	_ =	shalt  }
0x78: {  	_ =	shalt  }
0x79: {  	_ =	shalt  }
0x7a: {  	_ =	shalt  }
0x7b: {  	_ =	shalt  }
0x7c: {  	_ =	shalt  }
0x7d: {  	_ =	shalt  }
0x7e: {  	_ =	shalt  }
0x7f: {  	_ =	shalt  }
0x80: {  	_ =	shalt  }
0x81: {  	_ =	shalt  }
0x82: {  	_ =	shalt  }
0x83: {  	_ =	shalt  }
0x84: {  	_ =	shalt  }
0x85: {  	_ =	shalt  }
0x86: {  	_ =	shalt  }
0x87: {  	_ =	shalt  }
.Lfunc_end0:
.L_simem_size_0:
called_computation.1_lowered:
.L_overlay_start_0:
0x88: {  	s2 =	sld [smem:$0x3FD9]  }
0x89: {  	s3 =	sld [smem:$0x3FFE];
	_ =	sdelay $0x1  }
0x8a: {  	s1 =	srdreg.scid  }
0x8b: {  	s0 =	sand.u32 $0x1, s1  }
0x8c: {  	s17 =	sshll.u32 s0, $0xA;
	s2 =	sadd.s32 s3, s2  }
0x8d: {  	s2 =	sadd.s32 s2, s17  }
0x8e: {  	[smem:$0x3FB5] =	sst s2  }
0x8f: {  	_ = 	snop  }
0x90: {  	s2 =	sld [smem:$0x3FC9]  }
0x91: {  	s18 =	sld [smem:$0x3FD0];
	(tm) =	ssettm $0x1  }
0x92: {  	s4 =	sld [smem:$0x3FFB];
	_ =	sdelay $0x3  }
0x93: {  	_ =	strace s4  }
0x94: {  	s4 =	sld [smem:$0x3FFC];
	_ =	sdelay $0x3  }
0x95: {  	_ =	strace s4  }
0x96: {  	s4 =	sld [smem:$0x3FFD];
	_ =	sdelay $0x3  }
0x97: {  	_ =	strace s4  }
0x98: {  	_ =	strace $0x8FFFFFFF  }
0x99: {  	s19 =	sld [smem:$0x3FDB];
	_ =	sdelay $0x1  }
0x9a: {  	s5 =	simm.s32 $_scs_section_size  }
0x9b: {  	s6 =	simm.s32 $_size__tile_overlayer_lowered;
	s7 =	simm.s32 $_tile_overlayer_lowered  }
0x9c: {  	s22 =	simm.s32 $0x1BFF;
	s21 =	sshll.u32 s7, $0x1;
	s4 =	sadd.s32 s5, s19  }
0x9d: {  	s8 =	simm.s32 $0x0;
	s20 =	sshll.u32 s6, $0x1;
	s6 =	sadd.s32 s21, s4  }
0x9e: {  	[timem:s8], [sflag:s22] =	dma.local [hbm:s6], s20  }
0x9f: {  	_ =	swait.ge [sflag:s22], s20  }
0xa0: {  	s5 =	ssub.s32 $0x0, s20;
	[sflag:s22] =	ssyncset.done $0x0  }
0xa1: {  	[sflag:s22] =	ssyncadd.s32 s5;
	_ =	sdelay $0x1  }
0xa2: {  	s23 =	simm.s32 $0x1B8B  }
0xa3: {  	_ =	swait.ge [sflag:s23], $0x1  }
0xa4: {  	[sflag:s23] =	ssyncset.done $0x0  }
0xa5: {  	s25 =	simm.s32 $0x1B8E;
	s24 =	sld [smem:$0x3FFE];
	[sflag:s23] =	ssyncadd.s32 $0xFFFFFFFF  }
0xa6: {  	s26 =	simm.s32 $execute0_lowered;
	[smem:$0x3FD2] =	sst s25  }
0xa7: {  	s6 =	sshll.u32 s26, $0x1;
	_ =	strace $0x80000049;
	[dreg:$0x1] =	wrdreg $0xFFFFFFFF  }
0xa8: {  	s28 =	simm.s32 $_size_execute0_lowered;
	s4 =	sadd.s32 s4, s6;
	[dreg:$0x0] =	wrdreg $0x0  }
0xa9: {  	s6 =	sshll.u32 s28, $0x1;
	[dreg:$0x2] =	wrdreg s4  }
0xaa: {  	[dreg:$0x3] =	wrdreg s6  }
0xab: {  	[dreg:$0x4] =	wrdreg $0xC0  }
0xac: {  	_ =	task [dreg:s8], $0x5FFFF  }
0xad: {  	[dreg:$0x1] =	wrdreg $0xFFFFFFFF  }
0xae: {  	[dreg:$0x0] =	wrdreg $0x60  }
0xaf: {  	[dreg:$0x2] =	wrdreg s24  }
0xb0: {  	[dreg:$0x3] =	wrdreg s18  }
0xb1: {  	[dreg:$0x4] =	wrdreg s2  }
0xb2: {  	[dreg:$0x5] =	wrdreg $0x41000  }
0xb3: {  	[dreg:$0x6] =	wrdreg $0x9  }
0xb4: {  	_ =	task.clear_ibuf [dreg:s8], $0x7FFFF;
	_ =	strace $0x90000049  }
0xb5: {  	s29 =	simm.s32 $0x9;
	_ =	strace $0x8000004B  }
0xb6: {  	_ =	swait.ge [sflag:s29], $0x1  }
0xb7: {  	[sflag:s29] =	ssyncadd.s32 $0xFFFFFFFF  }
0xb8: {  	_ =	strace $0x9000004B  }
0xb9: {  	_ =	sfence  }
0xba: {  	s30 =	sld [smem:$0x0];
	_ =	sdelay $0x2  }
0xbb: {  	s31 =	sshll.u32 s1, $0xD;
	s1 =	sshrl.u32 s1, $0x2  }
0xbc: {  	s3 =	sand.u32 $0x4000, s31;
	s1 =	sadd.s32 s1, s30  }
0xbd: {  	s0 =	sor.u32 s3, s0;
	s1 =	sshll.u32 s1, $0x11  }
0xbe: {  	s0 =	sor.u32 s1, s0  }
0xbf: {  	s0 =	sadd.s32 $0x8F2B, s0  }
0xc0: {  	[sflag:s0] =	ssyncadd.remote.s32 $0x1  }
0xc1: {  	_ =	sfence.sel $0xFFFF  }
0xc2: {  	[dreg:$0x0] =	wrdreg $0xFFFFFFFF;
	(pc) =	sbr.abs _section_cstart, $3  }
0xc3: {  	[dreg:$0x1] =	wrdreg $0xFFFFFFFF  }
0xc4: {  	_ =	task.clear_ibuf [dreg:s8], $0x2FFFF;
	_ =	strace $0x9FFFFFFF  }
0xc5: {  	(tm) =	ssettm $0x7FFFFFFF  }
tec
execute0_lowered:
.L_overlay_start_1:
0x0: {  	(tag) =	ssettag $0x1  }
0x1: {  	s7 =	rddreg [dreg:$0x0]  }
0x2: {  	s1 =	rddreg [dreg:$0x1]  }
0x3: {  	s3 =	rddreg [dreg:$0x2]  }
0x4: {  	s4 =	rddreg [dreg:$0x3]  }
0x5: {  	s0 =	rddreg [dreg:$0x4]  }
0x6: {  	s5 =	simm.s32 $0x0;
	s2 =	stileid.u32;
	s6 =	srdreg.scid  }
0x7: {  	s14 =	simm.s32 $0x100;
	s15 =	simm.s32 $0x1;
	s8 =	smul.u32 $0x13A0, s2  }
0x8: {  	[smem:$0x7FF] =	sst s5;
	s9 =	sand.u32 $0x1, s6;
	s12 =	smul.u32 $0x50000, s2  }
0x9: {  	s6 =	sadd.s32 $0x29A00, s7;
	s31 =	sshll.u32 s2, $0x6;
	s17 =	smul.u32 $0x2800, s2  }
0xa: {  	_ =	strace $0x8000004A;
	s10 =	smul.u32 $0x28000, s9;
	s28 =	ssub.s32 $0x2, s9  }
0xb: {  	p0 =	seq.s32 s9, $0x1;
	s11 =	sadd.s32 s8, s7;
	s29 =	sshrl.u32 s28, $0x1  }
.Ltmp0:
0xc: {  	s30 =	sshrl.u32 s12, $0x2;
	s12 =	simm.s32 $0x2;
	(pc) =	sbr.rel .LBB2_1-.Ltmp0, $4  }
0xd: {  	s10 =	sadd.s32 s10, s7;
	s8 =	ssub.s32 s28, s29;
	s13 =	sadd.s32 s30, s4  }
0xe: {  	s7 =	sor.u32 $0x1C02, s31;
	s9 =	sadd.s32 $0x2600, s11;
	s16 =	sadd.s32 $0x2C200, s10  }
0xf: {  	s8 =	smax.u32 s8, $0x1;
	s10 =	sadd.s32 $0x16000, s11;
	s11 =	sshrl.u32 s13, $0x3  }
0x10: {  	s13 =	simm.s32 $0x80;
	s16 =	sadd.s32 s17, s16;
	s17 =	simm.s32 $0x0  }
.LBB2_7:
0x11: {  	s19 =	sadd.s32 s18, s10;
	[sflag:s12] =	ssyncadd.s32 $0xFFFFC000  }
0x12: {  	[tilespmem:s5], [sflag:$0x2] =	stream.linear.gather [hbm4b:s19+s5], $0x80, $0x38;
	[tilespmem:$0x18100] =	vst v63  }
0x13: {  	_ =	swait.ge [sflag:s12], $0x80  }
0x14: {  	[sflag:s12] =	ssyncset.done $0x0  }
0x15: {  	s31 =	sadd.s32 s18, s9;
	[sflag:s12] =	ssyncadd.s32 $0xFFFFFF80  }
0x16: {  	[tilespmem:s13], [sflag:$0x2] =	stream.linear.gather [hbm4b:s31+s5], $0x80, $0x38;
	[tilespmem:$0x18100] =	vst v63  }
0x17: {  	_ =	swait.ge [sflag:s12], $0x80  }
0x18: {  	[sflag:s12] =	ssyncset.done $0x0  }
0x19: {  	[sflag:s12] =	ssyncadd.s32 $0xFFFFFF80  }
0x1a: {  	[tilespmem:s14], [sflag:$0x1] =	stream.indirect.gather [hbm4b:s3+s13], $0x80, s5, s13, $0xb8;
	[tilespmem:$0x18100] =	vst v63  }
0x1b: {  	_ =	swait.ge [sflag:s15], $0x4000  }
0x1c: {  	[sflag:s15] =	ssyncset.done $0x0  }
0x1d: {  	[sflag:s15] =	ssyncadd.s32 $0xFFFFC000  }
0x1e: {  	[spmem:s4] =	stream.indirect.scatter.add.f32 [tilespmem:s14], [sflag:$0x2], $0x80, s13, s13, $0xb8;
	[tilespmem:$0x18100] =	vst v63  }
0x1f: {  	_ =	swait.ge [sflag:s12], $0x4000  }
0x20: {  	[sflag:s12] =	ssyncset.done $0x0  }
0x21: {  	[sflag:s12] =	ssyncadd.s32 $0xFFFFC000  }
.LBB2_8:
0x22: {  	s17 =	sadd.s32 $0x1, s17  }
0x23: {  	p1 =	sne.s32 s17, s8  }
.Ltmp1:
0x24: {  	[bflag:$0x0] =	sbarrier.arrive $0xFFFF;
	(pc) =	sbr.rel @!p1 .LBB2_9-.Ltmp1, $4  }
0x25: {  	[hbm:s16], [sflag:s7] =	dma.local [spmem:s11], $0x2800  }
0x26: {  	_ =	swait.ge [sflag:s12], $0x2800  }
0x27: {  	[sflag:s12] =	ssyncset.done $0x0  }
0x28: {  	[sflag:s12] =	ssyncadd.s32 $0xFFFFD800  }
.LBB2_1:
0x29: {  	[spmem:s11], [sflag:s7] =	dma.local [hbm:s6], $0x2800  }
.Ltmp2:
0x2a: {  	_ =	swait.ge [sflag:s12], $0x2800;
	(pc) =	sbr.rel @!p0 .LBB2_2-.Ltmp2, $4  }
0x2b: {  	[sflag:s12] =	ssyncset.done $0x0  }
0x2c: {  	[sflag:s12] =	ssyncadd.s32 $0xFFFFD800  }
0x2d: {  	[bflag:$0x0] =	sbarrier.arrive $0xFFFF  }
0x2e: {  	s18 =	sadd.s32 $0x0, s10  }
0x2f: {  	[tilespmem:s5], [sflag:$0x2] =	stream.linear.gather [hbm4b:s18+s5], $0x80, $0x38;
	[tilespmem:$0x18100] =	vst v63  }
0x30: {  	_ =	swait.ge [sflag:s12], $0x80  }
0x31: {  	[sflag:s12] =	ssyncset.done $0x0  }
0x32: {  	s31 =	sadd.s32 $0x0, s9;
	[sflag:s12] =	ssyncadd.s32 $0xFFFFFF80  }
0x33: {  	[tilespmem:s13], [sflag:$0x2] =	stream.linear.gather [hbm4b:s31+s5], $0x80, $0x38;
	[tilespmem:$0x18100] =	vst v63  }
0x34: {  	_ =	swait.ge [sflag:s12], $0x80  }
0x35: {  	[sflag:s12] =	ssyncset.done $0x0  }
0x36: {  	[sflag:s12] =	ssyncadd.s32 $0xFFFFFF80  }
0x37: {  	[tilespmem:s14], [sflag:$0x1] =	stream.indirect.gather [hbm4b:s3+s13], $0x80, s5, s13, $0xb8;
	[tilespmem:$0x18100] =	vst v63  }
0x38: {  	_ =	swait.ge [sflag:s15], $0x4000  }
0x39: {  	[sflag:s15] =	ssyncset.done $0x0  }
0x3a: {  	[sflag:s15] =	ssyncadd.s32 $0xFFFFC000  }
0x3b: {  	[spmem:s4] =	stream.indirect.scatter.add.f32 [tilespmem:s14], [sflag:$0x2], $0x80, s13, s13, $0xb8;
	[tilespmem:$0x18100] =	vst v63  }
0x3c: {  	_ =	swait.ge [sflag:s12], $0x4000  }
0x3d: {  	s18 =	simm.s32 $0x10;
	s19 =	simm.s32 $0x20;
	[sflag:s12] =	ssyncset.done $0x0  }
.LBB2_6:
0x3e: {  	s20 =	sadd.s32 s18, s10  }
0x3f: {  	[sflag:s12] =	ssyncadd.s32 $0xFFFFC000;
	s21 =	smov.u32 s19;
	s22 =	sadd.s32 $0x10, s19  }
0x40: {  	[tilespmem:s5], [sflag:$0x2] =	stream.linear.gather [hbm4b:s20+s5], $0x80, $0x38;
	[tilespmem:$0x18100] =	vst v63  }
0x41: {  	p1 =	sne.s32 s19, $0x1390;
	_ =	swait.ge [sflag:s12], $0x80  }
0x42: {  	[sflag:s12] =	ssyncset.done $0x0  }
0x43: {  	s19 =	sadd.s32 s18, s9;
	s18 =	smov.u32 s21;
	[sflag:s12] =	ssyncadd.s32 $0xFFFFFF80  }
0x44: {  	[tilespmem:s13], [sflag:$0x2] =	stream.linear.gather [hbm4b:s19+s5], $0x80, $0x38;
	[tilespmem:$0x18100] =	vst v63  }
0x45: {  	_ =	swait.ge [sflag:s12], $0x80  }
0x46: {  	[sflag:s12] =	ssyncset.done $0x0  }
0x47: {  	[sflag:s12] =	ssyncadd.s32 $0xFFFFFF80  }
0x48: {  	[tilespmem:s14], [sflag:$0x1] =	stream.indirect.gather [hbm4b:s3+s13], $0x80, s5, s13, $0xb8;
	[tilespmem:$0x18100] =	vst v63  }
0x49: {  	_ =	swait.ge [sflag:s15], $0x4000  }
.Ltmp3:
0x4a: {  	[sflag:s15] =	ssyncset.done $0x0;
	(pc) =	sbr.rel @p1 .LBB2_6-.Ltmp3, $4  }
0x4b: {  	[sflag:s15] =	ssyncadd.s32 $0xFFFFC000  }
0x4c: {  	[spmem:s4] =	stream.indirect.scatter.add.f32 [tilespmem:s14], [sflag:$0x2], $0x80, s13, s13, $0xb8;
	[tilespmem:$0x18100] =	vst v63  }
0x4d: {  	_ =	swait.ge [sflag:s12], $0x4000  }
0x4e: {  	s19 =	smov.u32 s22;
	[sflag:s12] =	ssyncset.done $0x0  }
.Ltmp4:
0x4f: {  	_ = 	snop;
	(pc) =	sbr.rel .LBB2_7-.Ltmp4, $1  }
0x50: {  	_ =	sdelay $0x3  }
.LBB2_2:
0x51: {  	[tilespmem:s5], [sflag:$0x2] =	stream.linear.gather [hbm4b:s18+s5], $0x80, $0x38;
	[tilespmem:$0x18100] =	vst v63  }
0x52: {  	_ =	swait.ge [sflag:s12], $0x80  }
0x53: {  	[sflag:s12] =	ssyncset.done $0x0  }
0x54: {  	s31 =	sadd.s32 $0x0, s9;
	[sflag:s12] =	ssyncadd.s32 $0xFFFFFF80  }
0x55: {  	[tilespmem:s13], [sflag:$0x2] =	stream.linear.gather [hbm4b:s31+s5], $0x80, $0x38;
	[tilespmem:$0x18100] =	vst v63  }
0x56: {  	_ =	swait.ge [sflag:s12], $0x80  }
0x57: {  	[sflag:s12] =	ssyncset.done $0x0  }
0x58: {  	[sflag:s12] =	ssyncadd.s32 $0xFFFFFF80  }
0x59: {  	[tilespmem:s14], [sflag:$0x1] =	stream.indirect.gather [hbm4b:s1+s13], $0x80, s5, s13, $0xb8;
	[tilespmem:$0x18100] =	vst v63  }
0x5a: {  	_ =	swait.ge [sflag:s15], $0x4000  }
0x5b: {  	[sflag:s15] =	ssyncset.done $0x0  }
0x5c: {  	[sflag:s15] =	ssyncadd.s32 $0xFFFFC000  }
0x5d: {  	[spmem:s4] =	stream.indirect.scatter.add.f32 [tilespmem:s14], [sflag:$0x2], $0x80, s13, s13, $0xb8;
	[tilespmem:$0x18100] =	vst v63  }
0x5e: {  	_ =	swait.ge [sflag:s12], $0x4000  }
0x5f: {  	s18 =	simm.s32 $0x10;
	s19 =	simm.s32 $0x20;
	[sflag:s12] =	ssyncset.done $0x0  }
.LBB2_3:
0x60: {  	s20 =	sadd.s32 s18, s10  }
0x61: {  	[sflag:s12] =	ssyncadd.s32 $0xFFFFC000;
	s21 =	smov.u32 s19;
	s22 =	sadd.s32 $0x10, s19  }
0x62: {  	[tilespmem:s5], [sflag:$0x2] =	stream.linear.gather [hbm4b:s20+s5], $0x80, $0x38;
	[tilespmem:$0x18100] =	vst v63  }
0x63: {  	p1 =	seq.s32 s19, $0x1390;
	_ =	swait.ge [sflag:s12], $0x80  }
0x64: {  	[sflag:s12] =	ssyncset.done $0x0  }
0x65: {  	s19 =	sadd.s32 s18, s9;
	s18 =	smov.u32 s21;
	[sflag:s12] =	ssyncadd.s32 $0xFFFFFF80  }
0x66: {  	[tilespmem:s13], [sflag:$0x2] =	stream.linear.gather [hbm4b:s19+s5], $0x80, $0x38;
	[tilespmem:$0x18100] =	vst v63  }
0x67: {  	_ =	swait.ge [sflag:s12], $0x80  }
0x68: {  	[sflag:s12] =	ssyncset.done $0x0  }
0x69: {  	[sflag:s12] =	ssyncadd.s32 $0xFFFFFF80  }
0x6a: {  	[tilespmem:s14], [sflag:$0x1] =	stream.indirect.gather [hbm4b:s1+s13], $0x80, s5, s13, $0xb8;
	[tilespmem:$0x18100] =	vst v63  }
0x6b: {  	_ =	swait.ge [sflag:s15], $0x4000  }
.Ltmp5:
0x6c: {  	[sflag:s15] =	ssyncset.done $0x0;
	(pc) =	sbr.rel @!p1 .LBB2_3-.Ltmp5, $4  }
0x6d: {  	[sflag:s15] =	ssyncadd.s32 $0xFFFFC000  }
0x6e: {  	[spmem:s4] =	stream.indirect.scatter.add.f32 [tilespmem:s14], [sflag:$0x2], $0x80, s13, s13, $0xb8;
	[tilespmem:$0x18100] =	vst v63  }
0x6f: {  	_ =	swait.ge [sflag:s12], $0x4000  }
0x70: {  	s19 =	smov.u32 s22;
	[sflag:s12] =	ssyncset.done $0x0  }
0x71: {  	s19 =	sadd.s32 s18, s10;
	[sflag:s12] =	ssyncadd.s32 $0xFFFFC000  }
0x72: {  	[tilespmem:s5], [sflag:$0x2] =	stream.linear.gather [hbm4b:s19+s5], $0x80, $0x38;
	[tilespmem:$0x18100] =	vst v63  }
0x73: {  	_ =	swait.ge [sflag:s12], $0x80  }
0x74: {  	[sflag:s12] =	ssyncset.done $0x0  }
0x75: {  	s31 =	sadd.s32 s18, s9;
	[sflag:s12] =	ssyncadd.s32 $0xFFFFFF80  }
0x76: {  	[tilespmem:s13], [sflag:$0x2] =	stream.linear.gather [hbm4b:s31+s5], $0x80, $0x38;
	[tilespmem:$0x18100] =	vst v63  }
0x77: {  	_ =	swait.ge [sflag:s12], $0x80  }
0x78: {  	[sflag:s12] =	ssyncset.done $0x0  }
0x79: {  	[sflag:s12] =	ssyncadd.s32 $0xFFFFFF80  }
0x7a: {  	[tilespmem:s14], [sflag:$0x1] =	stream.indirect.gather [hbm4b:s1+s13], $0x80, s5, s13, $0xb8;
	[tilespmem:$0x18100] =	vst v63  }
0x7b: {  	_ =	swait.ge [sflag:s15], $0x4000  }
0x7c: {  	[sflag:s15] =	ssyncset.done $0x0  }
.Ltmp6:
0x7d: {  	[sflag:s15] =	ssyncadd.s32 $0xFFFFC000;
	(pc) =	sbr.rel .LBB2_8-.Ltmp6, $4  }
0x7e: {  	[spmem:s4] =	stream.indirect.scatter.add.f32 [tilespmem:s14], [sflag:$0x2], $0x80, s13, s13, $0xb8;
	[tilespmem:$0x18100] =	vst v63  }
0x7f: {  	_ =	swait.ge [sflag:s12], $0x4000  }
0x80: {  	[sflag:s12] =	ssyncset.done $0x0  }
0x81: {  	[sflag:s12] =	ssyncadd.s32 $0xFFFFC000  }
.LBB2_9:
0x82: {  	_ =	sfence.sel $0x180000  }
0x83: {  	[bflag:$0x0] =	sbarrier.arrive $0xFFFF  }
0x84: {  	p0 =	sne.s32 s2, $0x0;
	_ =	strace $0x9000004A  }
0x85: {  	s0 =	sadd.s32 @!p0 $0x100000, s0;
	[bflag:$0x2] =	sbarrier.arrive $0xFFFF  }
0x86: {  	[sflag:s0] =	ssyncadd.tile.s32 @!p0 $0x1;
	_ =	shalt  }
.Lfunc_end2:
_tile_overlayer_lowered:
.L_overlay_start_2:
0x87: {  	(tag) =	ssettag $0x2  }
0x88: {  	s0 =	rddreg [dreg:$0x0];
	s2 =	stileid.u32  }
0x89: {  	s1 =	rddreg [dreg:$0x1];
	p0 =	sne.s32 s2, $0x0  }
0x8a: {  	s3 =	rddreg [dreg:$0x2];
	[bflag:$0x3] =	sbarrier.arrive $0xFFFF;
	s2 =	simm.s32 @!p0 $0x1C02  }
0x8b: {  	[timem:s3], [sflag:s2] =	dma.local @!p0 [hbm:s0], s1  }
0x8c: {  	s0 =	simm.s32 @!p0 $0x2  }
0x8d: {  	_ =	swait.ge @!p0 [sflag:s0], s1  }
0x8e: {  	s1 =	ssub.s32 @!p0 $0x0, s1;
	[sflag:s0] =	ssyncset.done @!p0 $0x0  }
0x8f: {  	[sflag:s0] =	ssyncadd.s32 @!p0 s1  }
0x90: {  	[bflag:$0x3] =	sbarrier.arrive $0xFFFF  }
0x91: {  	_ =	shalt  }

// kernel: kernel.7.cloned.1.call-start
scs
__scs_entry_jumppad:
0x0: {  	(pc) =	sbr.rel $0x88, $3  }
0x1: {  	(tag) =	ssettag $0x0;
	lr =	simm.s32 $0x1  }
0x2: {  	[smem:$0x3F8E] =	sst lr;
	_ =	strace $0xD0000000  }
0x3: {  	_ = 	snop  }
0x4: {  	_ = 	snop  }
0x5: {  	_ = 	snop  }
0x6: {  	_ = 	snop  }
0x7: {  	_ = 	snop  }
__scs_overlays_trampoline_lowered:
0x8: {  	[smem:$0x3F9D] =	sst s0  }
0x9: {  	[smem:$0x3F9E] =	sst s1  }
0xa: {  	[smem:$0x3F9F] =	sst s2  }
0xb: {  	[smem:$0x3FA0] =	sst s3  }
0xc: {  	[smem:$0x3FA1] =	sst s4  }
0xd: {  	[smem:$0x3FA2] =	sst s5  }
0xe: {  	[smem:$0x3FA3] =	sst s6  }
0xf: {  	[smem:$0x3FA4] =	sst s7  }
0x10: {  	[smem:$0x3FA5] =	sst s8  }
0x11: {  	[smem:$0x3FA6] =	sst s9;
	s0 =	simm.s32 @!p0 $0x0  }
0x12: {  	s1 =	sld [smem:$0x3F8C];
	s0 =	simm.s32 @p0 $0x1  }
0x13: {  	[smem:$0x3FA7] =	sst s0;
	s0 =	simm.s32 @!p1 $0x0  }
0x14: {  	s2 =	sld [smem:$0x3F8B];
	s0 =	simm.s32 @p1 $0x1  }
0x15: {  	[smem:$0x3FA8] =	sst s0;
	s0 =	simm.s32 @!p2 $0x0  }
0x16: {  	s3 =	sld [smem:$0x3FDB];
	s0 =	simm.s32 @p2 $0x1  }
0x17: {  	s4 =	simm.s32 $0x1BF5;
	[smem:$0x3FAA] =	sst s0  }
0x18: {  	s0 =	sld [smem:$0x3F8D];
	_ =	swait.ge [sflag:s4], $0x0  }
0x19: {  	s7 =	sld [smem:$0x3F8E]  }
0x1a: {  	s8 =	sadd.s32 $0xFFFFE003, lr  }
0x1b: {  	s9 =	sadd.s32 $0xFFFFFEF7, lr;
	s5 =	simm.s32 $0xFFFFFFFF;
	p2 =	slt.u32 s8, $0xFFFFF086  }
0x1c: {  	p1 =	slt.u32 s9, $0xF7A;
	s5 =	simm.s32 @!p2 $0x0  }
0x1d: {  	s5 =	simm.s32 @p1 $0x1;
	p0 =	seq.s32 s7, s2  }
0x1e: {  	s7 =	smul.u32 @!p0 $0xF7A, s2;
	p2 =	seq.s32 @!p0 s5, $0x0  }
0x1f: {  	s9 =	smul.u32 $0xF7A, s1;
	s8 =	simm.s32 @!p0 $0x1BF5;
	p2 =	por !p2, p0  }
0x20: {  	[sflag:s8] =	ssyncset.s32 @!p0 $0xFFFFF086;
	s6 =	sadd.s32 @!p0 s3, s7;
	s7 =	simm.s32 @!p0 $0x108  }
0x21: {  	s3 =	sadd.s32 s3, s9;
	s6 =	sadd.s32 @!p0 $0x88, s6;
	s7 =	simm.s32 @p2 $0x1082  }
0x22: {  	[simem:s7], [sflag:s8] =	dma.local @!p0 [hbm:s6], $0xF7A  }
0x23: {  	s9 =	sor.u32 $0xD0000000, s2;
	s6 =	simm.s32 $0x108;
	_ =	swait.ge @!p0 [sflag:s8], $0x0  }
0x24: {  	s3 =	sadd.s32 $0x88, s3;
	s6 =	simm.s32 @!p1 $0x1082;
	[sflag:s4] =	ssyncset.s32 $0xFFFFF086  }
0x25: {  	[simem:s6], [sflag:s4] =	dma.local [hbm:s3], $0xF7A  }
0x26: {  	[smem:$0x3F8E] =	sst s1;
	(tag) =	ssettag s2;
	_ =	strace s9  }
0x27: {  	s1 =	sld [smem:$0x3F9E]  }
0x28: {  	s2 =	sld [smem:$0x3F9F]  }
0x29: {  	s4 =	sld [smem:$0x3FA1]  }
0x2a: {  	p0 =	seq.s32 s5, $0x0;
	s5 =	sld [smem:$0x3FA2]  }
0x2b: {  	s6 =	sld [smem:$0x3FA3]  }
0x2c: {  	s7 =	sld [smem:$0x3FA4]  }
0x2d: {  	s3 =	simm.s32 $0x108;
	s8 =	sld [smem:$0x3FA5]  }
0x2e: {  	s3 =	simm.s32 @!p0 $0x1082;
	s9 =	sld [smem:$0x3FA6]  }
0x2f: {  	lr =	sadd.s32 s0, s3;
	s0 =	sld [smem:$0x3F9D]  }
0x30: {  	s3 =	sld [smem:$0x3FA0]  }
0x31: {  	[smem:$0x3FA9] =	sst s10  }
0x32: {  	s10 =	sld [smem:$0x3FA7];
	_ =	sdelay $0x3  }
0x33: {  	p0 =	seq.s32 s10, $0x1;
	s10 =	sld [smem:$0x3FA9];
	_ =	sdelay $0x3  }
0x34: {  	[smem:$0x3FA9] =	sst s10  }
0x35: {  	s10 =	sld [smem:$0x3FA8];
	_ =	sdelay $0x3  }
0x36: {  	p1 =	seq.s32 s10, $0x1;
	s10 =	sld [smem:$0x3FA9];
	_ =	sdelay $0x3  }
0x37: {  	[smem:$0x3FA9] =	sst s10  }
0x38: {  	s10 =	sld [smem:$0x3FAA]  }
0x39: {  	_ = 	snop;
	(pc) =	sbr.ind lr, $3  }
0x3a: {  	_ = 	snop  }
0x3b: {  	_ = 	snop  }
0x3c: {  	p2 =	seq.s32 s10, $0x1;
	s10 =	sld [smem:$0x3FA9]  }
0x3d: {  	_ =	shalt  }
0x3e: {  	_ =	shalt  }
0x3f: {  	_ =	shalt  }
0x40: {  	_ =	shalt  }
0x41: {  	_ =	shalt  }
0x42: {  	_ =	shalt  }
0x43: {  	_ =	shalt  }
0x44: {  	_ =	shalt  }
0x45: {  	_ =	shalt  }
0x46: {  	_ =	shalt  }
0x47: {  	_ =	shalt  }
0x48: {  	_ =	shalt  }
0x49: {  	_ =	shalt  }
0x4a: {  	_ =	shalt  }
0x4b: {  	_ =	shalt  }
0x4c: {  	_ =	shalt  }
0x4d: {  	_ =	shalt  }
0x4e: {  	_ =	shalt  }
0x4f: {  	_ =	shalt  }
0x50: {  	_ =	shalt  }
0x51: {  	_ =	shalt  }
0x52: {  	_ =	shalt  }
0x53: {  	_ =	shalt  }
0x54: {  	_ =	shalt  }
0x55: {  	_ =	shalt  }
0x56: {  	_ =	shalt  }
0x57: {  	_ =	shalt  }
0x58: {  	_ =	shalt  }
0x59: {  	_ =	shalt  }
0x5a: {  	_ =	shalt  }
0x5b: {  	_ =	shalt  }
0x5c: {  	_ =	shalt  }
0x5d: {  	_ =	shalt  }
0x5e: {  	_ =	shalt  }
0x5f: {  	_ =	shalt  }
0x60: {  	_ =	shalt  }
0x61: {  	_ =	shalt  }
0x62: {  	_ =	shalt  }
0x63: {  	_ =	shalt  }
0x64: {  	_ =	shalt  }
0x65: {  	_ =	shalt  }
0x66: {  	_ =	shalt  }
0x67: {  	_ =	shalt  }
0x68: {  	_ =	shalt  }
0x69: {  	_ =	shalt  }
0x6a: {  	_ =	shalt  }
0x6b: {  	_ =	shalt  }
0x6c: {  	_ =	shalt  }
0x6d: {  	_ =	shalt  }
0x6e: {  	_ =	shalt  }
0x6f: {  	_ =	shalt  }
0x70: {  	_ =	shalt  }
0x71: {  	_ =	shalt  }
0x72: {  	_ =	shalt  }
0x73: {  	_ =	shalt  }
0x74: {  	_ =	shalt  }
0x75: {  	_ =	shalt  }
0x76: {  	_ =	shalt  }
0x77: {  	_ =	shalt  }
0x78: {  	_ =	shalt  }
0x79: {  	_ =	shalt  }
0x7a: {  	_ =	shalt  }
0x7b: {  	_ =	shalt  }
0x7c: {  	_ =	shalt  }
0x7d: {  	_ =	shalt  }
0x7e: {  	_ =	shalt  }
0x7f: {  	_ =	shalt  }
0x80: {  	_ =	shalt  }
0x81: {  	_ =	shalt  }
0x82: {  	_ =	shalt  }
0x83: {  	_ =	shalt  }
0x84: {  	_ =	shalt  }
0x85: {  	_ =	shalt  }
0x86: {  	_ =	shalt  }
0x87: {  	_ =	shalt  }
.Lfunc_end0:
.L_simem_size_0:
called_computation_lowered:
.L_overlay_start_0:
0x88: {  	s2 =	sld [smem:$0x3FD9]  }
0x89: {  	s3 =	sld [smem:$0x3FFE];
	_ =	sdelay $0x1  }
0x8a: {  	s1 =	srdreg.scid  }
0x8b: {  	s0 =	sand.u32 $0x1, s1  }
0x8c: {  	s17 =	sshll.u32 s0, $0xA;
	s2 =	sadd.s32 s3, s2  }
0x8d: {  	s2 =	sadd.s32 s2, s17  }
0x8e: {  	[smem:$0x3FB5] =	sst s2  }
0x8f: {  	_ = 	snop  }
0x90: {  	s2 =	sld [smem:$0x3FD0];
	(tm) =	ssettm $0x1  }
0x91: {  	s18 =	sld [smem:$0x3FFB];
	_ =	sdelay $0x3  }
0x92: {  	_ =	strace s18  }
0x93: {  	s3 =	sld [smem:$0x3FFC];
	_ =	sdelay $0x3  }
0x94: {  	_ =	strace s3  }
0x95: {  	s3 =	sld [smem:$0x3FFD];
	_ =	sdelay $0x3  }
0x96: {  	_ =	strace s3  }
0x97: {  	_ =	strace $0x8FFFFFFF  }
0x98: {  	s19 =	sld [smem:$0x3FDB];
	_ =	sdelay $0x1  }
0x99: {  	s4 =	simm.s32 $_scs_section_size  }
0x9a: {  	s5 =	simm.s32 $_size__tile_overlayer_lowered;
	s6 =	simm.s32 $_tile_overlayer_lowered  }
0x9b: {  	s22 =	simm.s32 $0x1BFF;
	s21 =	sshll.u32 s6, $0x1;
	s3 =	sadd.s32 s4, s19  }
0x9c: {  	s7 =	simm.s32 $0x0;
	s20 =	sshll.u32 s5, $0x1;
	s5 =	sadd.s32 s21, s3  }
0x9d: {  	[timem:s7], [sflag:s22] =	dma.local [hbm:s5], s20  }
0x9e: {  	_ =	swait.ge [sflag:s22], s20  }
0x9f: {  	s4 =	ssub.s32 $0x0, s20;
	[sflag:s22] =	ssyncset.done $0x0  }
0xa0: {  	[sflag:s22] =	ssyncadd.s32 s4;
	_ =	sdelay $0x1  }
0xa1: {  	s23 =	simm.s32 $0x1B8B  }
0xa2: {  	_ =	swait.ge [sflag:s23], $0x1  }
0xa3: {  	[sflag:s23] =	ssyncset.done $0x0  }
0xa4: {  	s25 =	simm.s32 $0x1B8E;
	s24 =	sld [smem:$0x3FFE];
	[sflag:s23] =	ssyncadd.s32 $0xFFFFFFFF  }
0xa5: {  	s26 =	simm.s32 $execute0_lowered;
	[smem:$0x3FD2] =	sst s25  }
0xa6: {  	s5 =	sshll.u32 s26, $0x1;
	_ =	strace $0x80000046;
	[dreg:$0x1] =	wrdreg $0xFFFFFFFF  }
0xa7: {  	s28 =	simm.s32 $_size_execute0_lowered;
	s3 =	sadd.s32 s3, s5;
	[dreg:$0x0] =	wrdreg $0x0  }
0xa8: {  	s5 =	sshll.u32 s28, $0x1;
	[dreg:$0x2] =	wrdreg s3  }
0xa9: {  	[dreg:$0x3] =	wrdreg s5  }
0xaa: {  	[dreg:$0x4] =	wrdreg $0xC0  }
0xab: {  	_ =	task [dreg:s7], $0x5FFFF  }
0xac: {  	[dreg:$0x1] =	wrdreg $0xFFFFFFFF  }
0xad: {  	[dreg:$0x0] =	wrdreg $0x60  }
0xae: {  	[dreg:$0x2] =	wrdreg s24  }
0xaf: {  	[dreg:$0x3] =	wrdreg s2  }
0xb0: {  	[dreg:$0x4] =	wrdreg $0x41000  }
0xb1: {  	[dreg:$0x5] =	wrdreg $0x9  }
0xb2: {  	_ =	task.clear_ibuf [dreg:s7], $0x6FFFF;
	_ =	strace $0x90000046  }
0xb3: {  	s29 =	simm.s32 $0x9;
	_ =	strace $0x80000048  }
0xb4: {  	_ =	swait.ge [sflag:s29], $0x1  }
0xb5: {  	[sflag:s29] =	ssyncadd.s32 $0xFFFFFFFF  }
0xb6: {  	_ =	strace $0x90000048  }
0xb7: {  	_ =	sfence  }
0xb8: {  	s30 =	sld [smem:$0x0];
	_ =	sdelay $0x2  }
0xb9: {  	s31 =	sshll.u32 s1, $0xD;
	s1 =	sshrl.u32 s1, $0x2  }
0xba: {  	s3 =	sand.u32 $0x4000, s31;
	s1 =	sadd.s32 s1, s30  }
0xbb: {  	s0 =	sor.u32 s3, s0;
	s1 =	sshll.u32 s1, $0x11  }
0xbc: {  	s0 =	sor.u32 s1, s0  }
0xbd: {  	s0 =	sadd.s32 $0x8F2B, s0  }
0xbe: {  	[sflag:s0] =	ssyncadd.remote.s32 $0x1  }
0xbf: {  	_ =	sfence.sel $0xFFFF  }
0xc0: {  	[dreg:$0x0] =	wrdreg $0xFFFFFFFF;
	(pc) =	sbr.abs _section_cstart, $3  }
0xc1: {  	[dreg:$0x1] =	wrdreg $0xFFFFFFFF  }
0xc2: {  	_ =	task.clear_ibuf [dreg:s7], $0x2FFFF;
	_ =	strace $0x9FFFFFFF  }
0xc3: {  	(tm) =	ssettm $0x7FFFFFFF  }
tec
execute0_lowered:
.L_overlay_start_1:
0x0: {  	(tag) =	ssettag $0x1  }
0x1: {  	s6 =	rddreg [dreg:$0x0]  }
0x2: {  	s1 =	rddreg [dreg:$0x1]  }
0x3: {  	s2 =	rddreg [dreg:$0x2];
	s4 =	srdreg.scid  }
0x4: {  	s0 =	rddreg [dreg:$0x3];
	s3 =	simm.s32 $0x0;
	s5 =	sand.u32 $0x1, s4  }
0x5: {  	s13 =	simm.s32 $0x100;
	[smem:$0x7FF] =	sst s3;
	s7 =	smul.u32 $0x9D00, s5  }
0x6: {  	s14 =	simm.s32 $0x1;
	s4 =	stileid.u32;
	s8 =	smul.u32 $0x28000, s5  }
0x7: {  	_ =	strace $0x80000047;
	s9 =	ssub.s32 $0x2, s5;
	s11 =	smul.u32 $0x50000, s4  }
0x8: {  	s5 =	sadd.s32 $0x29A00, s6;
	s29 =	sshll.u32 s4, $0x6;
	s30 =	smul.u32 $0x9D0, s4  }
0x9: {  	s16 =	smul.u32 $0x2800, s4;
	s26 =	sshrl.u32 s9, $0x1;
	s10 =	sadd.s32 s7, s6  }
0xa: {  	s8 =	sadd.s32 s8, s6;
	s7 =	ssub.s32 s9, s26;
	s28 =	sshrl.u32 s11, $0x2  }
0xb: {  	s6 =	sor.u32 $0x1C02, s29;
	s11 =	simm.s32 $0x2;
	s12 =	sadd.s32 s28, s2  }
0xc: {  	s15 =	sadd.s32 $0x2C200, s8;
	s7 =	smax.u32 s7, $0x1;
	s31 =	sadd.s32 s30, s10  }
0xd: {  	s8 =	sadd.s32 $0x2600, s31;
	s9 =	sadd.s32 $0x16000, s31;
	s10 =	sshrl.u32 s12, $0x3  }
0xe: {  	s12 =	simm.s32 $0x80;
	s15 =	sadd.s32 s16, s15;
	s16 =	simm.s32 $0x0  }
.LBB2_1:
0xf: {  	[spmem:s10], [sflag:s6] =	dma.local [hbm:s5], $0x2800  }
0x10: {  	_ =	swait.ge [sflag:s11], $0x2800  }
0x11: {  	[sflag:s11] =	ssyncset.done $0x0  }
0x12: {  	[sflag:s11] =	ssyncadd.s32 $0xFFFFD800  }
0x13: {  	s17 =	sadd.s32 $0x0, s9;
	[bflag:$0x0] =	sbarrier.arrive $0xFFFF  }
0x14: {  	[tilespmem:s3], [sflag:$0x2] =	stream.linear.gather [hbm4b:s17+s3], $0x80, $0x38;
	[tilespmem:$0x18100] =	vst v63  }
0x15: {  	_ =	swait.ge [sflag:s11], $0x80  }
0x16: {  	[sflag:s11] =	ssyncset.done $0x0  }
0x17: {  	s31 =	sadd.s32 $0x0, s8;
	[sflag:s11] =	ssyncadd.s32 $0xFFFFFF80  }
0x18: {  	[tilespmem:s12], [sflag:$0x2] =	stream.linear.gather [hbm4b:s31+s3], $0x80, $0x38;
	[tilespmem:$0x18100] =	vst v63  }
0x19: {  	_ =	swait.ge [sflag:s11], $0x80  }
0x1a: {  	[sflag:s11] =	ssyncset.done $0x0  }
0x1b: {  	[sflag:s11] =	ssyncadd.s32 $0xFFFFFF80  }
0x1c: {  	[tilespmem:s13], [sflag:$0x1] =	stream.indirect.gather [hbm4b:s1+s12], $0x80, s3, s12, $0xb8;
	[tilespmem:$0x18100] =	vst v63  }
0x1d: {  	_ =	swait.ge [sflag:s14], $0x4000  }
0x1e: {  	[sflag:s14] =	ssyncset.done $0x0  }
0x1f: {  	[sflag:s14] =	ssyncadd.s32 $0xFFFFC000  }
0x20: {  	[spmem:s2] =	stream.indirect.scatter.add.f32 [tilespmem:s13], [sflag:$0x2], $0x80, s12, s12, $0xb8;
	[tilespmem:$0x18100] =	vst v63  }
0x21: {  	_ =	swait.ge [sflag:s11], $0x4000  }
0x22: {  	s18 =	simm.s32 $0x20;
	s17 =	simm.s32 $0x10;
	[sflag:s11] =	ssyncset.done $0x0  }
.LBB2_2:
0x23: {  	s19 =	sadd.s32 s17, s9  }
0x24: {  	[sflag:s11] =	ssyncadd.s32 $0xFFFFC000;
	s20 =	smov.u32 s18;
	s21 =	sadd.s32 $0x10, s18  }
0x25: {  	[tilespmem:s3], [sflag:$0x2] =	stream.linear.gather [hbm4b:s19+s3], $0x80, $0x38;
	[tilespmem:$0x18100] =	vst v63  }
0x26: {  	p0 =	sne.s32 s18, $0x9C0;
	_ =	swait.ge [sflag:s11], $0x80  }
0x27: {  	[sflag:s11] =	ssyncset.done $0x0  }
0x28: {  	s18 =	sadd.s32 s17, s8;
	s17 =	smov.u32 s20;
	[sflag:s11] =	ssyncadd.s32 $0xFFFFFF80  }
0x29: {  	[tilespmem:s12], [sflag:$0x2] =	stream.linear.gather [hbm4b:s18+s3], $0x80, $0x38;
	[tilespmem:$0x18100] =	vst v63  }
0x2a: {  	_ =	swait.ge [sflag:s11], $0x80  }
0x2b: {  	[sflag:s11] =	ssyncset.done $0x0  }
0x2c: {  	[sflag:s11] =	ssyncadd.s32 $0xFFFFFF80  }
0x2d: {  	[tilespmem:s13], [sflag:$0x1] =	stream.indirect.gather [hbm4b:s1+s12], $0x80, s3, s12, $0xb8;
	[tilespmem:$0x18100] =	vst v63  }
0x2e: {  	_ =	swait.ge [sflag:s14], $0x4000  }
.Ltmp0:
0x2f: {  	[sflag:s14] =	ssyncset.done $0x0;
	(pc) =	sbr.rel @p0 .LBB2_2-.Ltmp0, $4  }
0x30: {  	[sflag:s14] =	ssyncadd.s32 $0xFFFFC000  }
0x31: {  	[spmem:s2] =	stream.indirect.scatter.add.f32 [tilespmem:s13], [sflag:$0x2], $0x80, s12, s12, $0xb8;
	[tilespmem:$0x18100] =	vst v63  }
0x32: {  	_ =	swait.ge [sflag:s11], $0x4000  }
0x33: {  	s18 =	smov.u32 s21;
	[sflag:s11] =	ssyncset.done $0x0  }
0x34: {  	s18 =	sadd.s32 s17, s9;
	[sflag:s11] =	ssyncadd.s32 $0xFFFFC000  }
0x35: {  	[tilespmem:s3], [sflag:$0x2] =	stream.linear.gather [hbm4b:s18+s3], $0x80, $0x38;
	[tilespmem:$0x18100] =	vst v63  }
0x36: {  	_ =	swait.ge [sflag:s11], $0x80  }
0x37: {  	[sflag:s11] =	ssyncset.done $0x0  }
0x38: {  	s31 =	sadd.s32 s17, s8;
	[sflag:s11] =	ssyncadd.s32 $0xFFFFFF80  }
0x39: {  	[tilespmem:s12], [sflag:$0x2] =	stream.linear.gather [hbm4b:s31+s3], $0x80, $0x38;
	[tilespmem:$0x18100] =	vst v63  }
0x3a: {  	_ =	swait.ge [sflag:s11], $0x80  }
0x3b: {  	[sflag:s11] =	ssyncset.done $0x0  }
0x3c: {  	[sflag:s11] =	ssyncadd.s32 $0xFFFFFF80  }
0x3d: {  	[tilespmem:s13], [sflag:$0x1] =	stream.indirect.gather [hbm4b:s1+s12], $0x80, s3, s12, $0xb8;
	[tilespmem:$0x18100] =	vst v63  }
0x3e: {  	_ =	swait.ge [sflag:s14], $0x4000  }
0x3f: {  	[sflag:s14] =	ssyncset.done $0x0  }
0x40: {  	[sflag:s14] =	ssyncadd.s32 $0xFFFFC000  }
0x41: {  	[spmem:s2] =	stream.indirect.scatter.add.f32 [tilespmem:s13], [sflag:$0x2], $0x80, s12, s12, $0xb8;
	[tilespmem:$0x18100] =	vst v63  }
0x42: {  	_ =	swait.ge [sflag:s11], $0x4000  }
0x43: {  	s16 =	sadd.s32 $0x1, s16;
	[sflag:s11] =	ssyncset.done $0x0  }
0x44: {  	p0 =	sne.s32 s16, s7;
	[sflag:s11] =	ssyncadd.s32 $0xFFFFC000  }
.Ltmp1:
0x45: {  	[bflag:$0x0] =	sbarrier.arrive $0xFFFF;
	(pc) =	sbr.rel @p0 .LBB2_1-.Ltmp1, $4  }
0x46: {  	[hbm:s15], [sflag:s6] =	dma.local [spmem:s10], $0x2800  }
0x47: {  	_ =	swait.ge [sflag:s11], $0x2800  }
0x48: {  	[sflag:s11] =	ssyncset.done $0x0  }
0x49: {  	[sflag:s11] =	ssyncadd.s32 $0xFFFFD800  }
0x4a: {  	_ =	sfence.sel $0x180000  }
0x4b: {  	[bflag:$0x0] =	sbarrier.arrive $0xFFFF  }
0x4c: {  	p0 =	sne.s32 s4, $0x0;
	_ =	strace $0x90000047  }
0x4d: {  	s0 =	sadd.s32 @!p0 $0x100000, s0;
	[bflag:$0x2] =	sbarrier.arrive $0xFFFF  }
0x4e: {  	[sflag:s0] =	ssyncadd.tile.s32 @!p0 $0x1;
	_ =	shalt  }
.Lfunc_end2:
_tile_overlayer_lowered:
.L_overlay_start_2:
0x4f: {  	(tag) =	ssettag $0x2  }
0x50: {  	s0 =	rddreg [dreg:$0x0];
	s2 =	stileid.u32  }
0x51: {  	s1 =	rddreg [dreg:$0x1];
	p0 =	sne.s32 s2, $0x0  }
0x52: {  	s3 =	rddreg [dreg:$0x2];
	[bflag:$0x3] =	sbarrier.arrive $0xFFFF;
	s2 =	simm.s32 @!p0 $0x1C02  }
0x53: {  	[timem:s3], [sflag:s2] =	dma.local @!p0 [hbm:s0], s1  }
0x54: {  	s0 =	simm.s32 @!p0 $0x2  }
0x55: {  	_ =	swait.ge @!p0 [sflag:s0], s1  }
0x56: {  	s1 =	ssub.s32 @!p0 $0x0, s1;
	[sflag:s0] =	ssyncset.done @!p0 $0x0  }
0x57: {  	[sflag:s0] =	ssyncadd.s32 @!p0 s1  }
0x58: {  	[bflag:$0x3] =	sbarrier.arrive $0xFFFF  }
0x59: {  	_ =	shalt  }

</sc_bundles>
